<compile_context>
chip_gen: v7x
topology: tpu7x:2x2x1
jax: 0.10.2.dev20260603
libtpu: 0.0.44.dev20260713+nightly
codegen_flags: <defaults>
</compile_context>

<pallas_src>
import functools
import jax
import jax.numpy as jnp
from jax import lax
from jax.experimental import pallas as pl
from jax.experimental.pallas import tpu as pltpu
from jax.experimental.pallas import tpu_sc as plsc

_V = 100000
_R = 6
_NW = 32
_L = 16


def _dense_body(vals_ref, dist_ref, wk1_ref, bk1_ref, wk2_ref, bk2_ref,
                wt1_ref, bt1_ref, wt2_ref, bt2_ref, w2_ref):
    vals = vals_ref[...]
    dist = dist_ref[...]
    T, K = vals.shape

    eq = vals[:, :, None] == vals[:, None, :]
    eq_f = eq.astype(jnp.float32)
    ji = lax.broadcasted_iota(jnp.int32, (K, K), 0)
    mi = lax.broadcasted_iota(jnp.int32, (K, K), 1)
    lower = (mi < ji).astype(jnp.float32)
    ones_col = jnp.ones((K, 1), jnp.float32)
    seen_sum = jnp.dot((eq_f * lower[None]).reshape(T * K, K), ones_col,
                       preferred_element_type=jnp.float32).reshape(T, K)
    isnew = jnp.where((vals != 0) & (seen_sum < 0.5), 1.0, 0.0)
    cumtri = (mi <= ji).astype(jnp.float32)
    counts = lax.dot_general(isnew, cumtri, (((1,), (1,)), ((), ())),
                             preferred_element_type=jnp.float32)

    net_in = jnp.concatenate([dist, counts], axis=-1)

    h_k = jnp.tanh(jnp.dot(net_in, wk1_ref[...].T,
                           preferred_element_type=jnp.float32) + bk1_ref[...])
    logits = jnp.dot(h_k, wk2_ref[...].T,
                     preferred_element_type=jnp.float32) + bk2_ref[...]
    logits = logits - jnp.max(logits, axis=-1, keepdims=True)
    e = jnp.exp(logits)
    k_probs = e / jnp.sum(e, axis=-1, keepdims=True)

    h_t = jnp.tanh(jnp.dot(net_in, wt1_ref[...].T,
                           preferred_element_type=jnp.float32) + bt1_ref[...])
    tz = jnp.sum(h_t * wt2_ref[...], axis=-1, keepdims=True) + bt2_ref[...]
    temp = 1.0 / (1.0 + jnp.exp(-tz))

    ri = lax.broadcasted_iota(jnp.int32, (_R, K), 0)
    ki = lax.broadcasted_iota(jnp.int32, (_R, K), 1)
    kmask = jnp.where(ki < (1 << ri), 1.0, 1000.0).astype(jnp.float32)

    d = -(dist[:, None, :] * kmask[None, :, :]) / temp[:, :, None]
    d = d - jnp.max(d, axis=-1, keepdims=True)
    ed = jnp.exp(d)
    kw = ed / jnp.sum(ed, axis=-1, keepdims=True)
    w = jnp.sum(k_probs[:, :, None] * kw, axis=1)

    w2_ref[...] = jnp.dot((eq_f * w[:, None, :]).reshape(T * K, K), ones_col,
                          preferred_element_type=jnp.float32).reshape(T, K)


def _dense_pallas(vals_f, dist_f, wk1t, bk1, wk2t, bk2, wt1t, bt1, wt2t, bt2):
    T, K = vals_f.shape
    return pl.pallas_call(
        _dense_body,
        out_shape=jax.ShapeDtypeStruct((T, K), jnp.float32),
    )(vals_f, dist_f, wk1t, bk1, wk2t, bk2, wt1t, bt1, wt2t, bt2)


def _sc_scatter(vals_f, w2, B, S):
    T, K = vals_f.shape
    rows_per_w = T // _NW
    mesh = plsc.VectorSubcoreMesh(core_axis_name="c", subcore_axis_name="s")

    H = 49920
    H2 = _V - H

    @functools.partial(
        pl.kernel,
        mesh=mesh,
        out_type=jax.ShapeDtypeStruct((B, S, _V), jnp.float32),
        scratch_types=[
            pltpu.VMEM((H,), jnp.float32),
            pltpu.VMEM((H2,), jnp.float32),
            pltpu.VMEM((K,), jnp.int32),
            pltpu.VMEM((K,), jnp.float32),
            pltpu.SemaphoreType.DMA,
        ],
        compiler_params=pltpu.CompilerParams(needs_layout_passes=False),
    )
    def k(vals_hbm, w_hbm, out_hbm, rowa_v, rowb_v, idx_v, wv_v, sem):
        cid = lax.axis_index("c")
        sid = lax.axis_index("s")
        wid = sid * 2 + cid

        def zero_a(i, carry):
            base = i * (10 * _L)
            for u in range(10):
                rowa_v[pl.ds(base + u * _L, _L)] = jnp.zeros((_L,), jnp.float32)
            return carry

        def zero_b(i, carry):
            base = i * (10 * _L)
            for u in range(10):
                rowb_v[pl.ds(base + u * _L, _L)] = jnp.zeros((_L,), jnp.float32)
            return carry

        lax.fori_loop(0, H // (10 * _L), zero_a, 0)
        lax.fori_loop(0, H2 // (10 * _L), zero_b, 0)

        def scatter_halves(x16, iv):
            ma = iv < H
            plsc.store_scatter(rowa_v, [jnp.where(ma, iv, 0)], x16, mask=ma)
            plsc.store_scatter(rowb_v, [jnp.where(ma, 0, iv - H)], x16,
                               mask=~ma)

        for j in range(rows_per_w):
            t = wid * rows_per_w + j
            b = t // S
            s = t - b * S
            pltpu.sync_copy(vals_hbm.at[t], idx_v)
            pltpu.sync_copy(w_hbm.at[t], wv_v)
            for h in range(K // _L):
                scatter_halves(wv_v[pl.ds(h * _L, _L)],
                               idx_v[pl.ds(h * _L, _L)])
            ca = pltpu.async_copy(rowa_v, out_hbm.at[b, s, pl.ds(0, H)], sem)
            cb = pltpu.async_copy(rowb_v, out_hbm.at[b, s, pl.ds(H, H2)], sem)
            ca.wait()
            cb.wait()
            if j < rows_per_w - 1:
                for h in range(K // _L):
                    scatter_halves(jnp.zeros((_L,), jnp.float32),
                                   idx_v[pl.ds(h * _L, _L)])

    return k(vals_f, w2)


def kernel(vals, distances, Wk1, bk1, Wk2, bk2, Wl1, bl1, Wl2, bl2,
           Wt1, bt1, Wt2, bt2):
    B, S, K = vals.shape
    T = B * S
    vals_f = vals.reshape(T, K)
    dist_f = distances.reshape(T, K)
    w2 = _dense_pallas(vals_f, dist_f,
                       Wk1, bk1.reshape(1, -1), Wk2, bk2.reshape(1, -1),
                       Wt1, bt1.reshape(1, -1), Wt2, bt2.reshape(1, -1))
    return _sc_scatter(vals_f, w2, B, S)

# --- scband reference (transcript-rebuilt; emitter-appended) ---
"""Pipeline reference for scband-adaptive-combiner-29583734735132 (READ-ONLY COPY).

The authoritative reference and input builder live on the scoring server;
editing this copy changes nothing except your own understanding.
"""

import jax, jax.numpy as jnp
import numpy as np
import math

MAX_K = 32
PROB_DIM = 100000

def _label_counts(vals):
    B, S, K = vals.shape
    mask = jnp.triu(jnp.ones((K, K), dtype=bool), k=1)
    ev = jnp.broadcast_to(vals[:, :, None, :], (B, S, K, K))
    ev = jnp.where(mask[None, None, :, :], -1, ev)
    ls = jnp.sort(ev, axis=-1)
    keep = ((ls[..., 1:] - ls[..., :-1]) != 0).astype(ls.dtype)
    ls = jnp.concatenate([ls[..., :1], ls[..., 1:] * keep], axis=-1)
    counts = (ls != 0).sum(-1)
    counts = counts.at[..., :-1].add(-1)
    return counts

def _mask_for_distance(max_k):
    km = np.full((max_k, max_k), 999.0, dtype=np.float32)
    km = np.triu(km, k=1) + 1.0
    power_index = np.array([2 ** i - 1 for i in range(int(math.log(max_k, 2)) + 1)])
    return jnp.asarray(km[power_index])

def setup_inputs(seed: int = 0):
    key = jax.random.key(seed)
    ks = jax.random.split(key, 16)
    B, S, K = 32, 4, MAX_K
    H = 32
    Fin = 2 * K
    n_k_out = int(math.log(K, 2)) + 1
    vals = jax.random.randint(ks[0], (B, S, K), 0, PROB_DIM, dtype=jnp.int32)
    distances = jax.random.uniform(ks[1], (B, S, K), dtype=jnp.float32) * 10.0
    Wk1 = jax.random.normal(ks[2], (H, Fin), dtype=jnp.float32) * 0.05
    bk1 = jnp.zeros((H,), dtype=jnp.float32)
    Wk2 = jax.random.normal(ks[3], (n_k_out, H), dtype=jnp.float32) * 0.1
    bk2 = jnp.zeros((n_k_out,), dtype=jnp.float32)
    Wl1 = jax.random.normal(ks[4], (H, Fin), dtype=jnp.float32) * 0.05
    bl1 = jnp.zeros((H,), dtype=jnp.float32)
    Wl2 = jax.random.normal(ks[5], (1, H), dtype=jnp.float32) * 0.1
    bl2 = jnp.zeros((1,), dtype=jnp.float32)
    Wt1 = jax.random.normal(ks[6], (H, Fin), dtype=jnp.float32) * 0.05
    bt1 = jnp.zeros((H,), dtype=jnp.float32)
    bt2 = jnp.zeros((1,), dtype=jnp.float32)
    Wt2 = jax.random.normal(ks[7], (1, H), dtype=jnp.float32) * 0.1
    return {"vals": vals, "distances": distances, "Wk1": Wk1, "bk1": bk1, "Wk2": Wk2, "bk2": bk2, "Wl1": Wl1, "bl1": bl1, "Wl2": Wl2, "bl2": bl2, "Wt1": Wt1, "bt1": bt1, "Wt2": Wt2, "bt2": bt2}

def reference(vals, distances, Wk1, bk1, Wk2, bk2, Wl1, bl1, Wl2, bl2, Wt1, bt1, Wt2, bt2):
    B, S, K = vals.shape
    counts = _label_counts(vals).astype(jnp.float32)
    net_in = jnp.concatenate([jax.lax.stop_gradient(distances), counts], axis=-1)
    k_probs = jax.nn.softmax(jnp.tanh(net_in @ Wk1.T + bk1) @ Wk2.T + bk2, axis=-1)
    lam = jax.nn.sigmoid(jnp.tanh(net_in @ Wl1.T + bl1) @ Wl2.T + bl2)
    temp = jax.nn.sigmoid(jnp.tanh(net_in @ Wt1.T + bt1) @ Wt2.T + bt2)
    kmask = _mask_for_distance(K)
    d = distances[:, :, None, :] * kmask[None, None, :, :]
    d = -d / temp[:, :, :, None]
    knn_weight = jax.nn.softmax(d, axis=-1)
    w = jnp.einsum('bsr,bsrk->bsk', k_probs, knn_weight)
    knn_prob = jnp.zeros((B, S, PROB_DIM), dtype=jnp.float32)
    bi = jnp.arange(B)[:, None, None]
    si = jnp.arange(S)[None, :, None]
    knn_prob = knn_prob.at[bi, si, vals].add(w)
    return knn_prob

if __name__ == "__main__":
    import jax
    _d = setup_inputs()
    print(jax.jit(kernel)(*tuple(_d.values())))

</pallas_src>

<mosaic_0001>
#map = affine_map<(d0, d1) -> (0, 0)>
#map1 = affine_map<(d0, d1) -> (0, 0, 0)>
module attributes {stable_mosaic.version = 14 : i64} {
  func.func @k(%arg0: i32, %arg1: i32, %arg2: memref<128x32xi32, #tpu.memory_space<hbm>>, %arg3: memref<128x32xf32, #tpu.memory_space<hbm>>, %arg4: memref<32x4x100000xf32, #tpu.memory_space<hbm>>, %arg5: memref<49920xf32, #tpu.memory_space<vmem>>, %arg6: memref<50080xf32, #tpu.memory_space<vmem>>, %arg7: memref<32xi32, #tpu.memory_space<vmem>>, %arg8: memref<32xf32, #tpu.memory_space<vmem>>, %arg9: memref<!tpu.dma_semaphore, #tpu.memory_space<semaphore_mem>>) attributes {dimension_semantics = [#tpu.dimension_semantics<core_parallel>, #tpu.dimension_semantics<subcore_parallel>], iteration_bounds = array<i64: 2, 16>, scalar_prefetch = 0 : i64, scratch_operands = 5 : i64, tpu.core_type = #tpu.core_type<sc_vector_subcore>, window_params = [{transform_indices = #map}, {transform_indices = #map}, {transform_indices = #map1}]} {
    %mul3A = arith.constant 2 : i32
    %mul3A_0 = arith.muli %arg1, %mul3A : i32
    %add3A = arith.addi %mul3A_0, %arg0 : i32
    %scan3A = arith.constant 0 : i32
    %scan3A_1 = arith.constant 0 : i32
    %scan3A_2 = arith.constant 312 : i32
    %scan3A_3 = arith.addi %scan3A_1, %scan3A_2 : i32
    %scan3A_4 = arith.constant 1 : i32
    scf.for %scan3A_470 = %scan3A_1 to %scan3A_3 step %scan3A_4  : i32 {
      %mul3A_471 = arith.constant 160 : i32
      %mul3A_472 = arith.muli %scan3A_470, %mul3A_471 : i32
      %broadcast_in_dim3A_473 = arith.constant 0.000000e+00 : f32
      %broadcast_in_dim3A_474 = vector.broadcast %broadcast_in_dim3A_473 : f32 to vector<16xf32>
      %add3A_475 = arith.constant 0 : i32
      %add3A_476 = arith.addi %mul3A_472, %add3A_475 : i32
      %swap3A = arith.index_cast %add3A_476 : i32 to index
      %swap3A_477 = tpu.vector_load %arg5[%swap3A] {strides = array<i32>} : memref<49920xf32, #tpu.memory_space<vmem>>, vector<16xf32>,
      tpu.vector_store %arg5[%swap3A], %broadcast_in_dim3A_474 {strides = array<i32>} : memref<49920xf32, #tpu.memory_space<vmem>>, vector<16xf32>,
      %broadcast_in_dim3A_478 = arith.constant 0.000000e+00 : f32
      %broadcast_in_dim3A_479 = vector.broadcast %broadcast_in_dim3A_478 : f32 to vector<16xf32>
      %add3A_480 = arith.constant 16 : i32
      %add3A_481 = arith.addi %mul3A_472, %add3A_480 : i32
      %swap3A_482 = arith.index_cast %add3A_481 : i32 to index
      %swap3A_483 = tpu.vector_load %arg5[%swap3A_482] {strides = array<i32>} : memref<49920xf32, #tpu.memory_space<vmem>>, vector<16xf32>,
      tpu.vector_store %arg5[%swap3A_482], %broadcast_in_dim3A_479 {strides = array<i32>} : memref<49920xf32, #tpu.memory_space<vmem>>, vector<16xf32>,
      %broadcast_in_dim3A_484 = arith.constant 0.000000e+00 : f32
      %broadcast_in_dim3A_485 = vector.broadcast %broadcast_in_dim3A_484 : f32 to vector<16xf32>
      %add3A_486 = arith.constant 32 : i32
      %add3A_487 = arith.addi %mul3A_472, %add3A_486 : i32
      %swap3A_488 = arith.index_cast %add3A_487 : i32 to index
      %swap3A_489 = tpu.vector_load %arg5[%swap3A_488] {strides = array<i32>} : memref<49920xf32, #tpu.memory_space<vmem>>, vector<16xf32>,
      tpu.vector_store %arg5[%swap3A_488], %broadcast_in_dim3A_485 {strides = array<i32>} : memref<49920xf32, #tpu.memory_space<vmem>>, vector<16xf32>,
      %broadcast_in_dim3A_490 = arith.constant 0.000000e+00 : f32
      %broadcast_in_dim3A_491 = vector.broadcast %broadcast_in_dim3A_490 : f32 to vector<16xf32>
      %add3A_492 = arith.constant 48 : i32
      %add3A_493 = arith.addi %mul3A_472, %add3A_492 : i32
      %swap3A_494 = arith.index_cast %add3A_493 : i32 to index
      %swap3A_495 = tpu.vector_load %arg5[%swap3A_494] {strides = array<i32>} : memref<49920xf32, #tpu.memory_space<vmem>>, vector<16xf32>,
      tpu.vector_store %arg5[%swap3A_494], %broadcast_in_dim3A_491 {strides = array<i32>} : memref<49920xf32, #tpu.memory_space<vmem>>, vector<16xf32>,
      %broadcast_in_dim3A_496 = arith.constant 0.000000e+00 : f32
      %broadcast_in_dim3A_497 = vector.broadcast %broadcast_in_dim3A_496 : f32 to vector<16xf32>
      %add3A_498 = arith.constant 64 : i32
      %add3A_499 = arith.addi %mul3A_472, %add3A_498 : i32
      %swap3A_500 = arith.index_cast %add3A_499 : i32 to index
      %swap3A_501 = tpu.vector_load %arg5[%swap3A_500] {strides = array<i32>} : memref<49920xf32, #tpu.memory_space<vmem>>, vector<16xf32>,
      tpu.vector_store %arg5[%swap3A_500], %broadcast_in_dim3A_497 {strides = array<i32>} : memref<49920xf32, #tpu.memory_space<vmem>>, vector<16xf32>,
      %broadcast_in_dim3A_502 = arith.constant 0.000000e+00 : f32
      %broadcast_in_dim3A_503 = vector.broadcast %broadcast_in_dim3A_502 : f32 to vector<16xf32>
      %add3A_504 = arith.constant 80 : i32
      %add3A_505 = arith.addi %mul3A_472, %add3A_504 : i32
      %swap3A_506 = arith.index_cast %add3A_505 : i32 to index
      %swap3A_507 = tpu.vector_load %arg5[%swap3A_506] {strides = array<i32>} : memref<49920xf32, #tpu.memory_space<vmem>>, vector<16xf32>,
      tpu.vector_store %arg5[%swap3A_506], %broadcast_in_dim3A_503 {strides = array<i32>} : memref<49920xf32, #tpu.memory_space<vmem>>, vector<16xf32>,
      %broadcast_in_dim3A_508 = arith.constant 0.000000e+00 : f32
      %broadcast_in_dim3A_509 = vector.broadcast %broadcast_in_dim3A_508 : f32 to vector<16xf32>
      %add3A_510 = arith.constant 96 : i32
      %add3A_511 = arith.addi %mul3A_472, %add3A_510 : i32
      %swap3A_512 = arith.index_cast %add3A_511 : i32 to index
      %swap3A_513 = tpu.vector_load %arg5[%swap3A_512] {strides = array<i32>} : memref<49920xf32, #tpu.memory_space<vmem>>, vector<16xf32>,
      tpu.vector_store %arg5[%swap3A_512], %broadcast_in_dim3A_509 {strides = array<i32>} : memref<49920xf32, #tpu.memory_space<vmem>>, vector<16xf32>,
      %broadcast_in_dim3A_514 = arith.constant 0.000000e+00 : f32
      %broadcast_in_dim3A_515 = vector.broadcast %broadcast_in_dim3A_514 : f32 to vector<16xf32>
      %add3A_516 = arith.constant 112 : i32
      %add3A_517 = arith.addi %mul3A_472, %add3A_516 : i32
      %swap3A_518 = arith.index_cast %add3A_517 : i32 to index
      %swap3A_519 = tpu.vector_load %arg5[%swap3A_518] {strides = array<i32>} : memref<49920xf32, #tpu.memory_space<vmem>>, vector<16xf32>,
      tpu.vector_store %arg5[%swap3A_518], %broadcast_in_dim3A_515 {strides = array<i32>} : memref<49920xf32, #tpu.memory_space<vmem>>, vector<16xf32>,
      %broadcast_in_dim3A_520 = arith.constant 0.000000e+00 : f32
      %broadcast_in_dim3A_521 = vector.broadcast %broadcast_in_dim3A_520 : f32 to vector<16xf32>
      %add3A_522 = arith.constant 128 : i32
      %add3A_523 = arith.addi %mul3A_472, %add3A_522 : i32
      %swap3A_524 = arith.index_cast %add3A_523 : i32 to index
      %swap3A_525 = tpu.vector_load %arg5[%swap3A_524] {strides = array<i32>} : memref<49920xf32, #tpu.memory_space<vmem>>, vector<16xf32>,
      tpu.vector_store %arg5[%swap3A_524], %broadcast_in_dim3A_521 {strides = array<i32>} : memref<49920xf32, #tpu.memory_space<vmem>>, vector<16xf32>,
      %broadcast_in_dim3A_526 = arith.constant 0.000000e+00 : f32
      %broadcast_in_dim3A_527 = vector.broadcast %broadcast_in_dim3A_526 : f32 to vector<16xf32>
      %add3A_528 = arith.constant 144 : i32
      %add3A_529 = arith.addi %mul3A_472, %add3A_528 : i32
      %swap3A_530 = arith.index_cast %add3A_529 : i32 to index
      %swap3A_531 = tpu.vector_load %arg5[%swap3A_530] {strides = array<i32>} : memref<49920xf32, #tpu.memory_space<vmem>>, vector<16xf32>,
      tpu.vector_store %arg5[%swap3A_530], %broadcast_in_dim3A_527 {strides = array<i32>} : memref<49920xf32, #tpu.memory_space<vmem>>, vector<16xf32>,
    }
    %scan3A_5 = arith.constant 312 : i32
    %scan3A_6 = arith.constant 0 : i32
    %scan3A_7 = arith.constant 0 : i32
    %scan3A_8 = arith.constant 313 : i32
    %scan3A_9 = arith.addi %scan3A_7, %scan3A_8 : i32
    %scan3A_10 = arith.constant 1 : i32
    scf.for %scan3A_470 = %scan3A_7 to %scan3A_9 step %scan3A_10  : i32 {
      %mul3A_471 = arith.constant 160 : i32
      %mul3A_472 = arith.muli %scan3A_470, %mul3A_471 : i32
      %broadcast_in_dim3A_473 = arith.constant 0.000000e+00 : f32
      %broadcast_in_dim3A_474 = vector.broadcast %broadcast_in_dim3A_473 : f32 to vector<16xf32>
      %add3A_475 = arith.constant 0 : i32
      %add3A_476 = arith.addi %mul3A_472, %add3A_475 : i32
      %swap3A = arith.index_cast %add3A_476 : i32 to index
      %swap3A_477 = tpu.vector_load %arg6[%swap3A] {strides = array<i32>} : memref<50080xf32, #tpu.memory_space<vmem>>, vector<16xf32>,
      tpu.vector_store %arg6[%swap3A], %broadcast_in_dim3A_474 {strides = array<i32>} : memref<50080xf32, #tpu.memory_space<vmem>>, vector<16xf32>,
      %broadcast_in_dim3A_478 = arith.constant 0.000000e+00 : f32
      %broadcast_in_dim3A_479 = vector.broadcast %broadcast_in_dim3A_478 : f32 to vector<16xf32>
      %add3A_480 = arith.constant 16 : i32
      %add3A_481 = arith.addi %mul3A_472, %add3A_480 : i32
      %swap3A_482 = arith.index_cast %add3A_481 : i32 to index
      %swap3A_483 = tpu.vector_load %arg6[%swap3A_482] {strides = array<i32>} : memref<50080xf32, #tpu.memory_space<vmem>>, vector<16xf32>,
      tpu.vector_store %arg6[%swap3A_482], %broadcast_in_dim3A_479 {strides = array<i32>} : memref<50080xf32, #tpu.memory_space<vmem>>, vector<16xf32>,
      %broadcast_in_dim3A_484 = arith.constant 0.000000e+00 : f32
      %broadcast_in_dim3A_485 = vector.broadcast %broadcast_in_dim3A_484 : f32 to vector<16xf32>
      %add3A_486 = arith.constant 32 : i32
      %add3A_487 = arith.addi %mul3A_472, %add3A_486 : i32
      %swap3A_488 = arith.index_cast %add3A_487 : i32 to index
      %swap3A_489 = tpu.vector_load %arg6[%swap3A_488] {strides = array<i32>} : memref<50080xf32, #tpu.memory_space<vmem>>, vector<16xf32>,
      tpu.vector_store %arg6[%swap3A_488], %broadcast_in_dim3A_485 {strides = array<i32>} : memref<50080xf32, #tpu.memory_space<vmem>>, vector<16xf32>,
      %broadcast_in_dim3A_490 = arith.constant 0.000000e+00 : f32
      %broadcast_in_dim3A_491 = vector.broadcast %broadcast_in_dim3A_490 : f32 to vector<16xf32>
      %add3A_492 = arith.constant 48 : i32
      %add3A_493 = arith.addi %mul3A_472, %add3A_492 : i32
      %swap3A_494 = arith.index_cast %add3A_493 : i32 to index
      %swap3A_495 = tpu.vector_load %arg6[%swap3A_494] {strides = array<i32>} : memref<50080xf32, #tpu.memory_space<vmem>>, vector<16xf32>,
      tpu.vector_store %arg6[%swap3A_494], %broadcast_in_dim3A_491 {strides = array<i32>} : memref<50080xf32, #tpu.memory_space<vmem>>, vector<16xf32>,
      %broadcast_in_dim3A_496 = arith.constant 0.000000e+00 : f32
      %broadcast_in_dim3A_497 = vector.broadcast %broadcast_in_dim3A_496 : f32 to vector<16xf32>
      %add3A_498 = arith.constant 64 : i32
      %add3A_499 = arith.addi %mul3A_472, %add3A_498 : i32
      %swap3A_500 = arith.index_cast %add3A_499 : i32 to index
      %swap3A_501 = tpu.vector_load %arg6[%swap3A_500] {strides = array<i32>} : memref<50080xf32, #tpu.memory_space<vmem>>, vector<16xf32>,
      tpu.vector_store %arg6[%swap3A_500], %broadcast_in_dim3A_497 {strides = array<i32>} : memref<50080xf32, #tpu.memory_space<vmem>>, vector<16xf32>,
      %broadcast_in_dim3A_502 = arith.constant 0.000000e+00 : f32
      %broadcast_in_dim3A_503 = vector.broadcast %broadcast_in_dim3A_502 : f32 to vector<16xf32>
      %add3A_504 = arith.constant 80 : i32
      %add3A_505 = arith.addi %mul3A_472, %add3A_504 : i32
      %swap3A_506 = arith.index_cast %add3A_505 : i32 to index
      %swap3A_507 = tpu.vector_load %arg6[%swap3A_506] {strides = array<i32>} : memref<50080xf32, #tpu.memory_space<vmem>>, vector<16xf32>,
      tpu.vector_store %arg6[%swap3A_506], %broadcast_in_dim3A_503 {strides = array<i32>} : memref<50080xf32, #tpu.memory_space<vmem>>, vector<16xf32>,
      %broadcast_in_dim3A_508 = arith.constant 0.000000e+00 : f32
      %broadcast_in_dim3A_509 = vector.broadcast %broadcast_in_dim3A_508 : f32 to vector<16xf32>
      %add3A_510 = arith.constant 96 : i32
      %add3A_511 = arith.addi %mul3A_472, %add3A_510 : i32
      %swap3A_512 = arith.index_cast %add3A_511 : i32 to index
      %swap3A_513 = tpu.vector_load %arg6[%swap3A_512] {strides = array<i32>} : memref<50080xf32, #tpu.memory_space<vmem>>, vector<16xf32>,
      tpu.vector_store %arg6[%swap3A_512], %broadcast_in_dim3A_509 {strides = array<i32>} : memref<50080xf32, #tpu.memory_space<vmem>>, vector<16xf32>,
      %broadcast_in_dim3A_514 = arith.constant 0.000000e+00 : f32
      %broadcast_in_dim3A_515 = vector.broadcast %broadcast_in_dim3A_514 : f32 to vector<16xf32>
      %add3A_516 = arith.constant 112 : i32
      %add3A_517 = arith.addi %mul3A_472, %add3A_516 : i32
      %swap3A_518 = arith.index_cast %add3A_517 : i32 to index
      %swap3A_519 = tpu.vector_load %arg6[%swap3A_518] {strides = array<i32>} : memref<50080xf32, #tpu.memory_space<vmem>>, vector<16xf32>,
      tpu.vector_store %arg6[%swap3A_518], %broadcast_in_dim3A_515 {strides = array<i32>} : memref<50080xf32, #tpu.memory_space<vmem>>, vector<16xf32>,
      %broadcast_in_dim3A_520 = arith.constant 0.000000e+00 : f32
      %broadcast_in_dim3A_521 = vector.broadcast %broadcast_in_dim3A_520 : f32 to vector<16xf32>
      %add3A_522 = arith.constant 128 : i32
      %add3A_523 = arith.addi %mul3A_472, %add3A_522 : i32
      %swap3A_524 = arith.index_cast %add3A_523 : i32 to index
      %swap3A_525 = tpu.vector_load %arg6[%swap3A_524] {strides = array<i32>} : memref<50080xf32, #tpu.memory_space<vmem>>, vector<16xf32>,
      tpu.vector_store %arg6[%swap3A_524], %broadcast_in_dim3A_521 {strides = array<i32>} : memref<50080xf32, #tpu.memory_space<vmem>>, vector<16xf32>,
      %broadcast_in_dim3A_526 = arith.constant 0.000000e+00 : f32
      %broadcast_in_dim3A_527 = vector.broadcast %broadcast_in_dim3A_526 : f32 to vector<16xf32>
      %add3A_528 = arith.constant 144 : i32
      %add3A_529 = arith.addi %mul3A_472, %add3A_528 : i32
      %swap3A_530 = arith.index_cast %add3A_529 : i32 to index
      %swap3A_531 = tpu.vector_load %arg6[%swap3A_530] {strides = array<i32>} : memref<50080xf32, #tpu.memory_space<vmem>>, vector<16xf32>,
      tpu.vector_store %arg6[%swap3A_530], %broadcast_in_dim3A_527 {strides = array<i32>} : memref<50080xf32, #tpu.memory_space<vmem>>, vector<16xf32>,
    }
    %scan3A_11 = arith.constant 313 : i32
    %mul3A_12 = arith.constant 4 : i32
    %mul3A_13 = arith.muli %add3A, %mul3A_12 : i32
    %add3A_14 = arith.constant 0 : i32
    %add3A_15 = arith.addi %mul3A_13, %add3A_14 : i32
    %jit3A = arith.constant 4 : i32
    %div3A = arith.divsi %add3A_15, %jit3A : i32
    %sign3A = arith.constant 0 : i32
    %sign3A_16 = arith.cmpi sgt, %add3A_15, %sign3A : i32
    %sign3A_17 = arith.extui %sign3A_16 : i1 to i32
    %sign3A_18 = arith.constant 0 : i32
    %sign3A_19 = arith.cmpi slt, %add3A_15, %sign3A_18 : i32
    %sign3A_20 = arith.extui %sign3A_19 : i1 to i32
    %sign3A_21 = arith.subi %sign3A_17, %sign3A_20 : i32
    %sign3A_22 = arith.constant 0 : i32
    %sign3A_23 = arith.cmpi sgt, %jit3A, %sign3A_22 : i32
    %sign3A_24 = arith.extui %sign3A_23 : i1 to i32
    %sign3A_25 = arith.constant 0 : i32
    %sign3A_26 = arith.cmpi slt, %jit3A, %sign3A_25 : i32
    %sign3A_27 = arith.extui %sign3A_26 : i1 to i32
    %sign3A_28 = arith.subi %sign3A_24, %sign3A_27 : i32
    %ne3A = arith.cmpi ne, %sign3A_21, %sign3A_28 : i32
    %rem3A = arith.remsi %add3A_15, %jit3A : i32
    %ne3A_29 = arith.constant 0 : i32
    %ne3A_30 = arith.cmpi ne, %rem3A, %ne3A_29 : i32
    %and3A = arith.andi %ne3A, %ne3A_30 : i1
    %sub3A = arith.constant 1 : i32
    %sub3A_31 = arith.subi %div3A, %sub3A : i32
    %select_n3A = arith.select %and3A, %sub3A_31, %div3A : i32
    %mul3A_32 = arith.constant 4 : i32
    %mul3A_33 = arith.muli %select_n3A, %mul3A_32 : i32
    %sub3A_34 = arith.subi %add3A_15, %mul3A_33 : i32
    "tpu.region"() ({
      %run_scoped3A = tpu.sem_alloc : memref<!tpu.dma_semaphore, #tpu.memory_space<semaphore_mem>>
      %dma_start3A_470 = arith.constant 0 : i32
      %dma_start3A_471 = tpu.memref_slice %arg2[%add3A_15, %dma_start3A_470] : memref<128x32xi32, #tpu.memory_space<hbm>> -> memref<1x32xi32, #tpu.memory_space<hbm>>
      %dma_start3A_472 = tpu.memref_squeeze %dma_start3A_471 : memref<1x32xi32, #tpu.memory_space<hbm>> -> memref<32xi32, #tpu.memory_space<hbm>>
      %dma_start3A_473 = arith.constant 0 : i32
      %dma_start3A_474 = tpu.memref_slice %arg2[%add3A_15, %dma_start3A_473] : memref<128x32xi32, #tpu.memory_space<hbm>> -> memref<1x32xi32, #tpu.memory_space<hbm>>
      %dma_start3A_475 = tpu.memref_squeeze %dma_start3A_474 : memref<1x32xi32, #tpu.memory_space<hbm>> -> memref<32xi32, #tpu.memory_space<hbm>>
      tpu.enqueue_dma source(%dma_start3A_475 : memref<32xi32, #tpu.memory_space<hbm>>) target(%arg7 : memref<32xi32, #tpu.memory_space<vmem>>) target_semaphore(%run_scoped3A : memref<!tpu.dma_semaphore, #tpu.memory_space<semaphore_mem>>)
      %dma_wait3A_476 = arith.constant 0 : i32
      %dma_wait3A_477 = tpu.memref_slice %arg2[%add3A_15, %dma_wait3A_476] : memref<128x32xi32, #tpu.memory_space<hbm>> -> memref<1x32xi32, #tpu.memory_space<hbm>>
      %dma_wait3A_478 = tpu.memref_squeeze %dma_wait3A_477 : memref<1x32xi32, #tpu.memory_space<hbm>> -> memref<32xi32, #tpu.memory_space<hbm>>
      %dma_wait3A_479 = arith.constant 0 : i32
      %dma_wait3A_480 = tpu.memref_slice %arg2[%add3A_15, %dma_wait3A_479] : memref<128x32xi32, #tpu.memory_space<hbm>> -> memref<1x32xi32, #tpu.memory_space<hbm>>
      %dma_wait3A_481 = tpu.memref_squeeze %dma_wait3A_480 : memref<1x32xi32, #tpu.memory_space<hbm>> -> memref<32xi32, #tpu.memory_space<hbm>>
      tpu.wait_dma2 semaphore(%run_scoped3A : memref<!tpu.dma_semaphore, #tpu.memory_space<semaphore_mem>>) src(%dma_wait3A_481 : memref<32xi32, #tpu.memory_space<hbm>>) dst(%arg7 : memref<32xi32, #tpu.memory_space<vmem>>)
      tpu.yield
    }) : () -> ()
    "tpu.region"() ({
      %run_scoped3A = tpu.sem_alloc : memref<!tpu.dma_semaphore, #tpu.memory_space<semaphore_mem>>
      %dma_start3A_470 = arith.constant 0 : i32
      %dma_start3A_471 = tpu.memref_slice %arg3[%add3A_15, %dma_start3A_470] : memref<128x32xf32, #tpu.memory_space<hbm>> -> memref<1x32xf32, #tpu.memory_space<hbm>>
      %dma_start3A_472 = tpu.memref_squeeze %dma_start3A_471 : memref<1x32xf32, #tpu.memory_space<hbm>> -> memref<32xf32, #tpu.memory_space<hbm>>
      %dma_start3A_473 = arith.constant 0 : i32
      %dma_start3A_474 = tpu.memref_slice %arg3[%add3A_15, %dma_start3A_473] : memref<128x32xf32, #tpu.memory_space<hbm>> -> memref<1x32xf32, #tpu.memory_space<hbm>>
      %dma_start3A_475 = tpu.memref_squeeze %dma_start3A_474 : memref<1x32xf32, #tpu.memory_space<hbm>> -> memref<32xf32, #tpu.memory_space<hbm>>
      tpu.enqueue_dma source(%dma_start3A_475 : memref<32xf32, #tpu.memory_space<hbm>>) target(%arg8 : memref<32xf32, #tpu.memory_space<vmem>>) target_semaphore(%run_scoped3A : memref<!tpu.dma_semaphore, #tpu.memory_space<semaphore_mem>>)
      %dma_wait3A_476 = arith.constant 0 : i32
      %dma_wait3A_477 = tpu.memref_slice %arg3[%add3A_15, %dma_wait3A_476] : memref<128x32xf32, #tpu.memory_space<hbm>> -> memref<1x32xf32, #tpu.memory_space<hbm>>
      %dma_wait3A_478 = tpu.memref_squeeze %dma_wait3A_477 : memref<1x32xf32, #tpu.memory_space<hbm>> -> memref<32xf32, #tpu.memory_space<hbm>>
      %dma_wait3A_479 = arith.constant 0 : i32
      %dma_wait3A_480 = tpu.memref_slice %arg3[%add3A_15, %dma_wait3A_479] : memref<128x32xf32, #tpu.memory_space<hbm>> -> memref<1x32xf32, #tpu.memory_space<hbm>>
      %dma_wait3A_481 = tpu.memref_squeeze %dma_wait3A_480 : memref<1x32xf32, #tpu.memory_space<hbm>> -> memref<32xf32, #tpu.memory_space<hbm>>
      tpu.wait_dma2 semaphore(%run_scoped3A : memref<!tpu.dma_semaphore, #tpu.memory_space<semaphore_mem>>) src(%dma_wait3A_481 : memref<32xf32, #tpu.memory_space<hbm>>) dst(%arg8 : memref<32xf32, #tpu.memory_space<vmem>>)
      tpu.yield
    }) : () -> ()
    %get3A = arith.constant 0 : index
    %get3A_35 = tpu.vector_load %arg8[%get3A] {strides = array<i32>} : memref<32xf32, #tpu.memory_space<vmem>>, vector<16xf32>,
    %get3A_36 = arith.constant 0 : index
    %get3A_37 = tpu.vector_load %arg7[%get3A_36] {strides = array<i32>} : memref<32xi32, #tpu.memory_space<vmem>>, vector<16xi32>,
    %lt3A = arith.constant 49920 : i32
    %lt3A_38 = vector.broadcast %lt3A : i32 to vector<16xi32>
    %lt3A_39 = arith.cmpi slt, %get3A_37, %lt3A_38 : vector<16xi32>
    %jit3A_40 = arith.constant 0 : i32
    %broadcast_in_dim3A = vector.broadcast %jit3A_40 : i32 to vector<16xi32>
    %select_n3A_41 = arith.select %lt3A_39, %get3A_37, %broadcast_in_dim3A : vector<16xi1>, vector<16xi32>
    tpu.vector_store_idx %arg5[%select_n3A_41], %get3A_35 masked %lt3A_39 : memref<49920xf32, #tpu.memory_space<vmem>>[vector<16xi32>], vector<16xf32>, vector<16xi1>
    %sub3A_42 = arith.constant 49920 : i32
    %sub3A_43 = vector.broadcast %sub3A_42 : i32 to vector<16xi32>
    %sub3A_44 = arith.subi %get3A_37, %sub3A_43 : vector<16xi32>
    %jit3A_45 = arith.constant 0 : i32
    %broadcast_in_dim3A_46 = vector.broadcast %jit3A_45 : i32 to vector<16xi32>
    %select_n3A_47 = arith.select %lt3A_39, %broadcast_in_dim3A_46, %sub3A_44 : vector<16xi1>, vector<16xi32>
    %not3A = arith.constant dense<true> : vector<16xi1>
    %not3A_48 = arith.xori %lt3A_39, %not3A : vector<16xi1>
    tpu.vector_store_idx %arg6[%select_n3A_47], %get3A_35 masked %not3A_48 : memref<50080xf32, #tpu.memory_space<vmem>>[vector<16xi32>], vector<16xf32>, vector<16xi1>
    %get3A_49 = arith.constant 16 : index
    %get3A_50 = tpu.vector_load %arg8[%get3A_49] {strides = array<i32>} : memref<32xf32, #tpu.memory_space<vmem>>, vector<16xf32>,
    %get3A_51 = arith.constant 16 : index
    %get3A_52 = tpu.vector_load %arg7[%get3A_51] {strides = array<i32>} : memref<32xi32, #tpu.memory_space<vmem>>, vector<16xi32>,
    %lt3A_53 = arith.constant 49920 : i32
    %lt3A_54 = vector.broadcast %lt3A_53 : i32 to vector<16xi32>
    %lt3A_55 = arith.cmpi slt, %get3A_52, %lt3A_54 : vector<16xi32>
    %jit3A_56 = arith.constant 0 : i32
    %broadcast_in_dim3A_57 = vector.broadcast %jit3A_56 : i32 to vector<16xi32>
    %select_n3A_58 = arith.select %lt3A_55, %get3A_52, %broadcast_in_dim3A_57 : vector<16xi1>, vector<16xi32>
    tpu.vector_store_idx %arg5[%select_n3A_58], %get3A_50 masked %lt3A_55 : memref<49920xf32, #tpu.memory_space<vmem>>[vector<16xi32>], vector<16xf32>, vector<16xi1>
    %sub3A_59 = arith.constant 49920 : i32
    %sub3A_60 = vector.broadcast %sub3A_59 : i32 to vector<16xi32>
    %sub3A_61 = arith.subi %get3A_52, %sub3A_60 : vector<16xi32>
    %jit3A_62 = arith.constant 0 : i32
    %broadcast_in_dim3A_63 = vector.broadcast %jit3A_62 : i32 to vector<16xi32>
    %select_n3A_64 = arith.select %lt3A_55, %broadcast_in_dim3A_63, %sub3A_61 : vector<16xi1>, vector<16xi32>
    %not3A_65 = arith.constant dense<true> : vector<16xi1>
    %not3A_66 = arith.xori %lt3A_55, %not3A_65 : vector<16xi1>
    tpu.vector_store_idx %arg6[%select_n3A_64], %get3A_50 masked %not3A_66 : memref<50080xf32, #tpu.memory_space<vmem>>[vector<16xi32>], vector<16xf32>, vector<16xi1>
    %dma_start3A = arith.constant 0 : i32
    %dma_start3A_67 = tpu.memref_slice %arg4[%select_n3A, %sub3A_34, %dma_start3A] : memref<32x4x100000xf32, #tpu.memory_space<hbm>> -> memref<1x1x49920xf32, #tpu.memory_space<hbm>>
    %dma_start3A_68 = tpu.memref_squeeze %dma_start3A_67 : memref<1x1x49920xf32, #tpu.memory_space<hbm>> -> memref<49920xf32, #tpu.memory_space<hbm>>
    %dma_start3A_69 = arith.constant 0 : i32
    %dma_start3A_70 = tpu.memref_slice %arg4[%select_n3A, %sub3A_34, %dma_start3A_69] : memref<32x4x100000xf32, #tpu.memory_space<hbm>> -> memref<1x1x49920xf32, #tpu.memory_space<hbm>>
    %dma_start3A_71 = tpu.memref_squeeze %dma_start3A_70 : memref<1x1x49920xf32, #tpu.memory_space<hbm>> -> memref<49920xf32, #tpu.memory_space<hbm>>
    tpu.enqueue_dma source(%arg5 : memref<49920xf32, #tpu.memory_space<vmem>>) target(%dma_start3A_71 : memref<49920xf32, #tpu.memory_space<hbm>>) target_semaphore(%arg9 : memref<!tpu.dma_semaphore, #tpu.memory_space<semaphore_mem>>)
    %dma_start3A_72 = arith.constant 49920 : i32
    %dma_start3A_73 = tpu.memref_slice %arg4[%select_n3A, %sub3A_34, %dma_start3A_72] : memref<32x4x100000xf32, #tpu.memory_space<hbm>> -> memref<1x1x50080xf32, #tpu.memory_space<hbm>>
    %dma_start3A_74 = tpu.memref_squeeze %dma_start3A_73 : memref<1x1x50080xf32, #tpu.memory_space<hbm>> -> memref<50080xf32, #tpu.memory_space<hbm>>
    %dma_start3A_75 = arith.constant 49920 : i32
    %dma_start3A_76 = tpu.memref_slice %arg4[%select_n3A, %sub3A_34, %dma_start3A_75] : memref<32x4x100000xf32, #tpu.memory_space<hbm>> -> memref<1x1x50080xf32, #tpu.memory_space<hbm>>
    %dma_start3A_77 = tpu.memref_squeeze %dma_start3A_76 : memref<1x1x50080xf32, #tpu.memory_space<hbm>> -> memref<50080xf32, #tpu.memory_space<hbm>>
    tpu.enqueue_dma source(%arg6 : memref<50080xf32, #tpu.memory_space<vmem>>) target(%dma_start3A_77 : memref<50080xf32, #tpu.memory_space<hbm>>) target_semaphore(%arg9 : memref<!tpu.dma_semaphore, #tpu.memory_space<semaphore_mem>>)
    %dma_wait3A = arith.constant 0 : i32
    %dma_wait3A_78 = tpu.memref_slice %arg4[%select_n3A, %sub3A_34, %dma_wait3A] : memref<32x4x100000xf32, #tpu.memory_space<hbm>> -> memref<1x1x49920xf32, #tpu.memory_space<hbm>>
    %dma_wait3A_79 = tpu.memref_squeeze %dma_wait3A_78 : memref<1x1x49920xf32, #tpu.memory_space<hbm>> -> memref<49920xf32, #tpu.memory_space<hbm>>
    %dma_wait3A_80 = arith.constant 0 : i32
    %dma_wait3A_81 = tpu.memref_slice %arg4[%select_n3A, %sub3A_34, %dma_wait3A_80] : memref<32x4x100000xf32, #tpu.memory_space<hbm>> -> memref<1x1x49920xf32, #tpu.memory_space<hbm>>
    %dma_wait3A_82 = tpu.memref_squeeze %dma_wait3A_81 : memref<1x1x49920xf32, #tpu.memory_space<hbm>> -> memref<49920xf32, #tpu.memory_space<hbm>>
    tpu.wait_dma2 semaphore(%arg9 : memref<!tpu.dma_semaphore, #tpu.memory_space<semaphore_mem>>) src(%arg5 : memref<49920xf32, #tpu.memory_space<vmem>>) dst(%dma_wait3A_82 : memref<49920xf32, #tpu.memory_space<hbm>>)
    %dma_wait3A_83 = arith.constant 49920 : i32
    %dma_wait3A_84 = tpu.memref_slice %arg4[%select_n3A, %sub3A_34, %dma_wait3A_83] : memref<32x4x100000xf32, #tpu.memory_space<hbm>> -> memref<1x1x50080xf32, #tpu.memory_space<hbm>>
    %dma_wait3A_85 = tpu.memref_squeeze %dma_wait3A_84 : memref<1x1x50080xf32, #tpu.memory_space<hbm>> -> memref<50080xf32, #tpu.memory_space<hbm>>
    %dma_wait3A_86 = arith.constant 49920 : i32
    %dma_wait3A_87 = tpu.memref_slice %arg4[%select_n3A, %sub3A_34, %dma_wait3A_86] : memref<32x4x100000xf32, #tpu.memory_space<hbm>> -> memref<1x1x50080xf32, #tpu.memory_space<hbm>>
    %dma_wait3A_88 = tpu.memref_squeeze %dma_wait3A_87 : memref<1x1x50080xf32, #tpu.memory_space<hbm>> -> memref<50080xf32, #tpu.memory_space<hbm>>
    tpu.wait_dma2 semaphore(%arg9 : memref<!tpu.dma_semaphore, #tpu.memory_space<semaphore_mem>>) src(%arg6 : memref<50080xf32, #tpu.memory_space<vmem>>) dst(%dma_wait3A_88 : memref<50080xf32, #tpu.memory_space<hbm>>)
    %broadcast_in_dim3A_89 = arith.constant 0.000000e+00 : f32
    %broadcast_in_dim3A_90 = vector.broadcast %broadcast_in_dim3A_89 : f32 to vector<16xf32>
    %get3A_91 = arith.constant 0 : index
    %get3A_92 = tpu.vector_load %arg7[%get3A_91] {strides = array<i32>} : memref<32xi32, #tpu.memory_space<vmem>>, vector<16xi32>,
    %lt3A_93 = arith.constant 49920 : i32
    %lt3A_94 = vector.broadcast %lt3A_93 : i32 to vector<16xi32>
    %lt3A_95 = arith.cmpi slt, %get3A_92, %lt3A_94 : vector<16xi32>
    %jit3A_96 = arith.constant 0 : i32
    %broadcast_in_dim3A_97 = vector.broadcast %jit3A_96 : i32 to vector<16xi32>
    %select_n3A_98 = arith.select %lt3A_95, %get3A_92, %broadcast_in_dim3A_97 : vector<16xi1>, vector<16xi32>
    tpu.vector_store_idx %arg5[%select_n3A_98], %broadcast_in_dim3A_90 masked %lt3A_95 : memref<49920xf32, #tpu.memory_space<vmem>>[vector<16xi32>], vector<16xf32>, vector<16xi1>
    %sub3A_99 = arith.constant 49920 : i32
    %sub3A_100 = vector.broadcast %sub3A_99 : i32 to vector<16xi32>
    %sub3A_101 = arith.subi %get3A_92, %sub3A_100 : vector<16xi32>
    %jit3A_102 = arith.constant 0 : i32
    %broadcast_in_dim3A_103 = vector.broadcast %jit3A_102 : i32 to vector<16xi32>
    %select_n3A_104 = arith.select %lt3A_95, %broadcast_in_dim3A_103, %sub3A_101 : vector<16xi1>, vector<16xi32>
    %not3A_105 = arith.constant dense<true> : vector<16xi1>
    %not3A_106 = arith.xori %lt3A_95, %not3A_105 : vector<16xi1>
    tpu.vector_store_idx %arg6[%select_n3A_104], %broadcast_in_dim3A_90 masked %not3A_106 : memref<50080xf32, #tpu.memory_space<vmem>>[vector<16xi32>], vector<16xf32>, vector<16xi1>
    %broadcast_in_dim3A_107 = arith.constant 0.000000e+00 : f32
    %broadcast_in_dim3A_108 = vector.broadcast %broadcast_in_dim3A_107 : f32 to vector<16xf32>
    %get3A_109 = arith.constant 16 : index
    %get3A_110 = tpu.vector_load %arg7[%get3A_109] {strides = array<i32>} : memref<32xi32, #tpu.memory_space<vmem>>, vector<16xi32>,
    %lt3A_111 = arith.constant 49920 : i32
    %lt3A_112 = vector.broadcast %lt3A_111 : i32 to vector<16xi32>
    %lt3A_113 = arith.cmpi slt, %get3A_110, %lt3A_112 : vector<16xi32>
    %jit3A_114 = arith.constant 0 : i32
    %broadcast_in_dim3A_115 = vector.broadcast %jit3A_114 : i32 to vector<16xi32>
    %select_n3A_116 = arith.select %lt3A_113, %get3A_110, %broadcast_in_dim3A_115 : vector<16xi1>, vector<16xi32>
    tpu.vector_store_idx %arg5[%select_n3A_116], %broadcast_in_dim3A_108 masked %lt3A_113 : memref<49920xf32, #tpu.memory_space<vmem>>[vector<16xi32>], vector<16xf32>, vector<16xi1>
    %sub3A_117 = arith.constant 49920 : i32
    %sub3A_118 = vector.broadcast %sub3A_117 : i32 to vector<16xi32>
    %sub3A_119 = arith.subi %get3A_110, %sub3A_118 : vector<16xi32>
    %jit3A_120 = arith.constant 0 : i32
    %broadcast_in_dim3A_121 = vector.broadcast %jit3A_120 : i32 to vector<16xi32>
    %select_n3A_122 = arith.select %lt3A_113, %broadcast_in_dim3A_121, %sub3A_119 : vector<16xi1>, vector<16xi32>
    %not3A_123 = arith.constant dense<true> : vector<16xi1>
    %not3A_124 = arith.xori %lt3A_113, %not3A_123 : vector<16xi1>
    tpu.vector_store_idx %arg6[%select_n3A_122], %broadcast_in_dim3A_108 masked %not3A_124 : memref<50080xf32, #tpu.memory_space<vmem>>[vector<16xi32>], vector<16xf32>, vector<16xi1>
    %mul3A_125 = arith.constant 4 : i32
    %mul3A_126 = arith.muli %add3A, %mul3A_125 : i32
    %add3A_127 = arith.constant 1 : i32
    %add3A_128 = arith.addi %mul3A_126, %add3A_127 : i32
    %jit3A_129 = arith.constant 4 : i32
    %div3A_130 = arith.divsi %add3A_128, %jit3A_129 : i32
    %sign3A_131 = arith.constant 0 : i32
    %sign3A_132 = arith.cmpi sgt, %add3A_128, %sign3A_131 : i32
    %sign3A_133 = arith.extui %sign3A_132 : i1 to i32
    %sign3A_134 = arith.constant 0 : i32
    %sign3A_135 = arith.cmpi slt, %add3A_128, %sign3A_134 : i32
    %sign3A_136 = arith.extui %sign3A_135 : i1 to i32
    %sign3A_137 = arith.subi %sign3A_133, %sign3A_136 : i32
    %sign3A_138 = arith.constant 0 : i32
    %sign3A_139 = arith.cmpi sgt, %jit3A_129, %sign3A_138 : i32
    %sign3A_140 = arith.extui %sign3A_139 : i1 to i32
    %sign3A_141 = arith.constant 0 : i32
    %sign3A_142 = arith.cmpi slt, %jit3A_129, %sign3A_141 : i32
    %sign3A_143 = arith.extui %sign3A_142 : i1 to i32
    %sign3A_144 = arith.subi %sign3A_140, %sign3A_143 : i32
    %ne3A_145 = arith.cmpi ne, %sign3A_137, %sign3A_144 : i32
    %rem3A_146 = arith.remsi %add3A_128, %jit3A_129 : i32
    %ne3A_147 = arith.constant 0 : i32
    %ne3A_148 = arith.cmpi ne, %rem3A_146, %ne3A_147 : i32
    %and3A_149 = arith.andi %ne3A_145, %ne3A_148 : i1
    %sub3A_150 = arith.constant 1 : i32
    %sub3A_151 = arith.subi %div3A_130, %sub3A_150 : i32
    %select_n3A_152 = arith.select %and3A_149, %sub3A_151, %div3A_130 : i32
    %mul3A_153 = arith.constant 4 : i32
    %mul3A_154 = arith.muli %select_n3A_152, %mul3A_153 : i32
    %sub3A_155 = arith.subi %add3A_128, %mul3A_154 : i32
    "tpu.region"() ({
      %run_scoped3A = tpu.sem_alloc : memref<!tpu.dma_semaphore, #tpu.memory_space<semaphore_mem>>
      %dma_start3A_470 = arith.constant 0 : i32
      %dma_start3A_471 = tpu.memref_slice %arg2[%add3A_128, %dma_start3A_470] : memref<128x32xi32, #tpu.memory_space<hbm>> -> memref<1x32xi32, #tpu.memory_space<hbm>>
      %dma_start3A_472 = tpu.memref_squeeze %dma_start3A_471 : memref<1x32xi32, #tpu.memory_space<hbm>> -> memref<32xi32, #tpu.memory_space<hbm>>
      %dma_start3A_473 = arith.constant 0 : i32
      %dma_start3A_474 = tpu.memref_slice %arg2[%add3A_128, %dma_start3A_473] : memref<128x32xi32, #tpu.memory_space<hbm>> -> memref<1x32xi32, #tpu.memory_space<hbm>>
      %dma_start3A_475 = tpu.memref_squeeze %dma_start3A_474 : memref<1x32xi32, #tpu.memory_space<hbm>> -> memref<32xi32, #tpu.memory_space<hbm>>
      tpu.enqueue_dma source(%dma_start3A_475 : memref<32xi32, #tpu.memory_space<hbm>>) target(%arg7 : memref<32xi32, #tpu.memory_space<vmem>>) target_semaphore(%run_scoped3A : memref<!tpu.dma_semaphore, #tpu.memory_space<semaphore_mem>>)
      %dma_wait3A_476 = arith.constant 0 : i32
      %dma_wait3A_477 = tpu.memref_slice %arg2[%add3A_128, %dma_wait3A_476] : memref<128x32xi32, #tpu.memory_space<hbm>> -> memref<1x32xi32, #tpu.memory_space<hbm>>
      %dma_wait3A_478 = tpu.memref_squeeze %dma_wait3A_477 : memref<1x32xi32, #tpu.memory_space<hbm>> -> memref<32xi32, #tpu.memory_space<hbm>>
      %dma_wait3A_479 = arith.constant 0 : i32
      %dma_wait3A_480 = tpu.memref_slice %arg2[%add3A_128, %dma_wait3A_479] : memref<128x32xi32, #tpu.memory_space<hbm>> -> memref<1x32xi32, #tpu.memory_space<hbm>>
      %dma_wait3A_481 = tpu.memref_squeeze %dma_wait3A_480 : memref<1x32xi32, #tpu.memory_space<hbm>> -> memref<32xi32, #tpu.memory_space<hbm>>
      tpu.wait_dma2 semaphore(%run_scoped3A : memref<!tpu.dma_semaphore, #tpu.memory_space<semaphore_mem>>) src(%dma_wait3A_481 : memref<32xi32, #tpu.memory_space<hbm>>) dst(%arg7 : memref<32xi32, #tpu.memory_space<vmem>>)
      tpu.yield
    }) : () -> ()
    "tpu.region"() ({
      %run_scoped3A = tpu.sem_alloc : memref<!tpu.dma_semaphore, #tpu.memory_space<semaphore_mem>>
      %dma_start3A_470 = arith.constant 0 : i32
      %dma_start3A_471 = tpu.memref_slice %arg3[%add3A_128, %dma_start3A_470] : memref<128x32xf32, #tpu.memory_space<hbm>> -> memref<1x32xf32, #tpu.memory_space<hbm>>
      %dma_start3A_472 = tpu.memref_squeeze %dma_start3A_471 : memref<1x32xf32, #tpu.memory_space<hbm>> -> memref<32xf32, #tpu.memory_space<hbm>>
      %dma_start3A_473 = arith.constant 0 : i32
      %dma_start3A_474 = tpu.memref_slice %arg3[%add3A_128, %dma_start3A_473] : memref<128x32xf32, #tpu.memory_space<hbm>> -> memref<1x32xf32, #tpu.memory_space<hbm>>
      %dma_start3A_475 = tpu.memref_squeeze %dma_start3A_474 : memref<1x32xf32, #tpu.memory_space<hbm>> -> memref<32xf32, #tpu.memory_space<hbm>>
      tpu.enqueue_dma source(%dma_start3A_475 : memref<32xf32, #tpu.memory_space<hbm>>) target(%arg8 : memref<32xf32, #tpu.memory_space<vmem>>) target_semaphore(%run_scoped3A : memref<!tpu.dma_semaphore, #tpu.memory_space<semaphore_mem>>)
      %dma_wait3A_476 = arith.constant 0 : i32
      %dma_wait3A_477 = tpu.memref_slice %arg3[%add3A_128, %dma_wait3A_476] : memref<128x32xf32, #tpu.memory_space<hbm>> -> memref<1x32xf32, #tpu.memory_space<hbm>>
      %dma_wait3A_478 = tpu.memref_squeeze %dma_wait3A_477 : memref<1x32xf32, #tpu.memory_space<hbm>> -> memref<32xf32, #tpu.memory_space<hbm>>
      %dma_wait3A_479 = arith.constant 0 : i32
      %dma_wait3A_480 = tpu.memref_slice %arg3[%add3A_128, %dma_wait3A_479] : memref<128x32xf32, #tpu.memory_space<hbm>> -> memref<1x32xf32, #tpu.memory_space<hbm>>
      %dma_wait3A_481 = tpu.memref_squeeze %dma_wait3A_480 : memref<1x32xf32, #tpu.memory_space<hbm>> -> memref<32xf32, #tpu.memory_space<hbm>>
      tpu.wait_dma2 semaphore(%run_scoped3A : memref<!tpu.dma_semaphore, #tpu.memory_space<semaphore_mem>>) src(%dma_wait3A_481 : memref<32xf32, #tpu.memory_space<hbm>>) dst(%arg8 : memref<32xf32, #tpu.memory_space<vmem>>)
      tpu.yield
    }) : () -> ()
    %get3A_156 = arith.constant 0 : index
    %get3A_157 = tpu.vector_load %arg8[%get3A_156] {strides = array<i32>} : memref<32xf32, #tpu.memory_space<vmem>>, vector<16xf32>,
    %get3A_158 = arith.constant 0 : index
    %get3A_159 = tpu.vector_load %arg7[%get3A_158] {strides = array<i32>} : memref<32xi32, #tpu.memory_space<vmem>>, vector<16xi32>,
    %lt3A_160 = arith.constant 49920 : i32
    %lt3A_161 = vector.broadcast %lt3A_160 : i32 to vector<16xi32>
    %lt3A_162 = arith.cmpi slt, %get3A_159, %lt3A_161 : vector<16xi32>
    %jit3A_163 = arith.constant 0 : i32
    %broadcast_in_dim3A_164 = vector.broadcast %jit3A_163 : i32 to vector<16xi32>
    %select_n3A_165 = arith.select %lt3A_162, %get3A_159, %broadcast_in_dim3A_164 : vector<16xi1>, vector<16xi32>
    tpu.vector_store_idx %arg5[%select_n3A_165], %get3A_157 masked %lt3A_162 : memref<49920xf32, #tpu.memory_space<vmem>>[vector<16xi32>], vector<16xf32>, vector<16xi1>
    %sub3A_166 = arith.constant 49920 : i32
    %sub3A_167 = vector.broadcast %sub3A_166 : i32 to vector<16xi32>
    %sub3A_168 = arith.subi %get3A_159, %sub3A_167 : vector<16xi32>
    %jit3A_169 = arith.constant 0 : i32
    %broadcast_in_dim3A_170 = vector.broadcast %jit3A_169 : i32 to vector<16xi32>
    %select_n3A_171 = arith.select %lt3A_162, %broadcast_in_dim3A_170, %sub3A_168 : vector<16xi1>, vector<16xi32>
    %not3A_172 = arith.constant dense<true> : vector<16xi1>
    %not3A_173 = arith.xori %lt3A_162, %not3A_172 : vector<16xi1>
    tpu.vector_store_idx %arg6[%select_n3A_171], %get3A_157 masked %not3A_173 : memref<50080xf32, #tpu.memory_space<vmem>>[vector<16xi32>], vector<16xf32>, vector<16xi1>
    %get3A_174 = arith.constant 16 : index
    %get3A_175 = tpu.vector_load %arg8[%get3A_174] {strides = array<i32>} : memref<32xf32, #tpu.memory_space<vmem>>, vector<16xf32>,
    %get3A_176 = arith.constant 16 : index
    %get3A_177 = tpu.vector_load %arg7[%get3A_176] {strides = array<i32>} : memref<32xi32, #tpu.memory_space<vmem>>, vector<16xi32>,
    %lt3A_178 = arith.constant 49920 : i32
    %lt3A_179 = vector.broadcast %lt3A_178 : i32 to vector<16xi32>
    %lt3A_180 = arith.cmpi slt, %get3A_177, %lt3A_179 : vector<16xi32>
    %jit3A_181 = arith.constant 0 : i32
    %broadcast_in_dim3A_182 = vector.broadcast %jit3A_181 : i32 to vector<16xi32>
    %select_n3A_183 = arith.select %lt3A_180, %get3A_177, %broadcast_in_dim3A_182 : vector<16xi1>, vector<16xi32>
    tpu.vector_store_idx %arg5[%select_n3A_183], %get3A_175 masked %lt3A_180 : memref<49920xf32, #tpu.memory_space<vmem>>[vector<16xi32>], vector<16xf32>, vector<16xi1>
    %sub3A_184 = arith.constant 49920 : i32
    %sub3A_185 = vector.broadcast %sub3A_184 : i32 to vector<16xi32>
    %sub3A_186 = arith.subi %get3A_177, %sub3A_185 : vector<16xi32>
    %jit3A_187 = arith.constant 0 : i32
    %broadcast_in_dim3A_188 = vector.broadcast %jit3A_187 : i32 to vector<16xi32>
    %select_n3A_189 = arith.select %lt3A_180, %broadcast_in_dim3A_188, %sub3A_186 : vector<16xi1>, vector<16xi32>
    %not3A_190 = arith.constant dense<true> : vector<16xi1>
    %not3A_191 = arith.xori %lt3A_180, %not3A_190 : vector<16xi1>
    tpu.vector_store_idx %arg6[%select_n3A_189], %get3A_175 masked %not3A_191 : memref<50080xf32, #tpu.memory_space<vmem>>[vector<16xi32>], vector<16xf32>, vector<16xi1>
    %dma_start3A_192 = arith.constant 0 : i32
    %dma_start3A_193 = tpu.memref_slice %arg4[%select_n3A_152, %sub3A_155, %dma_start3A_192] : memref<32x4x100000xf32, #tpu.memory_space<hbm>> -> memref<1x1x49920xf32, #tpu.memory_space<hbm>>
    %dma_start3A_194 = tpu.memref_squeeze %dma_start3A_193 : memref<1x1x49920xf32, #tpu.memory_space<hbm>> -> memref<49920xf32, #tpu.memory_space<hbm>>
    %dma_start3A_195 = arith.constant 0 : i32
    %dma_start3A_196 = tpu.memref_slice %arg4[%select_n3A_152, %sub3A_155, %dma_start3A_195] : memref<32x4x100000xf32, #tpu.memory_space<hbm>> -> memref<1x1x49920xf32, #tpu.memory_space<hbm>>
    %dma_start3A_197 = tpu.memref_squeeze %dma_start3A_196 : memref<1x1x49920xf32, #tpu.memory_space<hbm>> -> memref<49920xf32, #tpu.memory_space<hbm>>
    tpu.enqueue_dma source(%arg5 : memref<49920xf32, #tpu.memory_space<vmem>>) target(%dma_start3A_197 : memref<49920xf32, #tpu.memory_space<hbm>>) target_semaphore(%arg9 : memref<!tpu.dma_semaphore, #tpu.memory_space<semaphore_mem>>)
    %dma_start3A_198 = arith.constant 49920 : i32
    %dma_start3A_199 = tpu.memref_slice %arg4[%select_n3A_152, %sub3A_155, %dma_start3A_198] : memref<32x4x100000xf32, #tpu.memory_space<hbm>> -> memref<1x1x50080xf32, #tpu.memory_space<hbm>>
    %dma_start3A_200 = tpu.memref_squeeze %dma_start3A_199 : memref<1x1x50080xf32, #tpu.memory_space<hbm>> -> memref<50080xf32, #tpu.memory_space<hbm>>
    %dma_start3A_201 = arith.constant 49920 : i32
    %dma_start3A_202 = tpu.memref_slice %arg4[%select_n3A_152, %sub3A_155, %dma_start3A_201] : memref<32x4x100000xf32, #tpu.memory_space<hbm>> -> memref<1x1x50080xf32, #tpu.memory_space<hbm>>
    %dma_start3A_203 = tpu.memref_squeeze %dma_start3A_202 : memref<1x1x50080xf32, #tpu.memory_space<hbm>> -> memref<50080xf32, #tpu.memory_space<hbm>>
    tpu.enqueue_dma source(%arg6 : memref<50080xf32, #tpu.memory_space<vmem>>) target(%dma_start3A_203 : memref<50080xf32, #tpu.memory_space<hbm>>) target_semaphore(%arg9 : memref<!tpu.dma_semaphore, #tpu.memory_space<semaphore_mem>>)
    %dma_wait3A_204 = arith.constant 0 : i32
    %dma_wait3A_205 = tpu.memref_slice %arg4[%select_n3A_152, %sub3A_155, %dma_wait3A_204] : memref<32x4x100000xf32, #tpu.memory_space<hbm>> -> memref<1x1x49920xf32, #tpu.memory_space<hbm>>
    %dma_wait3A_206 = tpu.memref_squeeze %dma_wait3A_205 : memref<1x1x49920xf32, #tpu.memory_space<hbm>> -> memref<49920xf32, #tpu.memory_space<hbm>>
    %dma_wait3A_207 = arith.constant 0 : i32
    %dma_wait3A_208 = tpu.memref_slice %arg4[%select_n3A_152, %sub3A_155, %dma_wait3A_207] : memref<32x4x100000xf32, #tpu.memory_space<hbm>> -> memref<1x1x49920xf32, #tpu.memory_space<hbm>>
    %dma_wait3A_209 = tpu.memref_squeeze %dma_wait3A_208 : memref<1x1x49920xf32, #tpu.memory_space<hbm>> -> memref<49920xf32, #tpu.memory_space<hbm>>
    tpu.wait_dma2 semaphore(%arg9 : memref<!tpu.dma_semaphore, #tpu.memory_space<semaphore_mem>>) src(%arg5 : memref<49920xf32, #tpu.memory_space<vmem>>) dst(%dma_wait3A_209 : memref<49920xf32, #tpu.memory_space<hbm>>)
    %dma_wait3A_210 = arith.constant 49920 : i32
    %dma_wait3A_211 = tpu.memref_slice %arg4[%select_n3A_152, %sub3A_155, %dma_wait3A_210] : memref<32x4x100000xf32, #tpu.memory_space<hbm>> -> memref<1x1x50080xf32, #tpu.memory_space<hbm>>
    %dma_wait3A_212 = tpu.memref_squeeze %dma_wait3A_211 : memref<1x1x50080xf32, #tpu.memory_space<hbm>> -> memref<50080xf32, #tpu.memory_space<hbm>>
    %dma_wait3A_213 = arith.constant 49920 : i32
    %dma_wait3A_214 = tpu.memref_slice %arg4[%select_n3A_152, %sub3A_155, %dma_wait3A_213] : memref<32x4x100000xf32, #tpu.memory_space<hbm>> -> memref<1x1x50080xf32, #tpu.memory_space<hbm>>
    %dma_wait3A_215 = tpu.memref_squeeze %dma_wait3A_214 : memref<1x1x50080xf32, #tpu.memory_space<hbm>> -> memref<50080xf32, #tpu.memory_space<hbm>>
    tpu.wait_dma2 semaphore(%arg9 : memref<!tpu.dma_semaphore, #tpu.memory_space<semaphore_mem>>) src(%arg6 : memref<50080xf32, #tpu.memory_space<vmem>>) dst(%dma_wait3A_215 : memref<50080xf32, #tpu.memory_space<hbm>>)
    %broadcast_in_dim3A_216 = arith.constant 0.000000e+00 : f32
    %broadcast_in_dim3A_217 = vector.broadcast %broadcast_in_dim3A_216 : f32 to vector<16xf32>
    %get3A_218 = arith.constant 0 : index
    %get3A_219 = tpu.vector_load %arg7[%get3A_218] {strides = array<i32>} : memref<32xi32, #tpu.memory_space<vmem>>, vector<16xi32>,
    %lt3A_220 = arith.constant 49920 : i32
    %lt3A_221 = vector.broadcast %lt3A_220 : i32 to vector<16xi32>
    %lt3A_222 = arith.cmpi slt, %get3A_219, %lt3A_221 : vector<16xi32>
    %jit3A_223 = arith.constant 0 : i32
    %broadcast_in_dim3A_224 = vector.broadcast %jit3A_223 : i32 to vector<16xi32>
    %select_n3A_225 = arith.select %lt3A_222, %get3A_219, %broadcast_in_dim3A_224 : vector<16xi1>, vector<16xi32>
    tpu.vector_store_idx %arg5[%select_n3A_225], %broadcast_in_dim3A_217 masked %lt3A_222 : memref<49920xf32, #tpu.memory_space<vmem>>[vector<16xi32>], vector<16xf32>, vector<16xi1>
    %sub3A_226 = arith.constant 49920 : i32
    %sub3A_227 = vector.broadcast %sub3A_226 : i32 to vector<16xi32>
    %sub3A_228 = arith.subi %get3A_219, %sub3A_227 : vector<16xi32>
    %jit3A_229 = arith.constant 0 : i32
    %broadcast_in_dim3A_230 = vector.broadcast %jit3A_229 : i32 to vector<16xi32>
    %select_n3A_231 = arith.select %lt3A_222, %broadcast_in_dim3A_230, %sub3A_228 : vector<16xi1>, vector<16xi32>
    %not3A_232 = arith.constant dense<true> : vector<16xi1>
    %not3A_233 = arith.xori %lt3A_222, %not3A_232 : vector<16xi1>
    tpu.vector_store_idx %arg6[%select_n3A_231], %broadcast_in_dim3A_217 masked %not3A_233 : memref<50080xf32, #tpu.memory_space<vmem>>[vector<16xi32>], vector<16xf32>, vector<16xi1>
    %broadcast_in_dim3A_234 = arith.constant 0.000000e+00 : f32
    %broadcast_in_dim3A_235 = vector.broadcast %broadcast_in_dim3A_234 : f32 to vector<16xf32>
    %get3A_236 = arith.constant 16 : index
    %get3A_237 = tpu.vector_load %arg7[%get3A_236] {strides = array<i32>} : memref<32xi32, #tpu.memory_space<vmem>>, vector<16xi32>,
    %lt3A_238 = arith.constant 49920 : i32
    %lt3A_239 = vector.broadcast %lt3A_238 : i32 to vector<16xi32>
    %lt3A_240 = arith.cmpi slt, %get3A_237, %lt3A_239 : vector<16xi32>
    %jit3A_241 = arith.constant 0 : i32
    %broadcast_in_dim3A_242 = vector.broadcast %jit3A_241 : i32 to vector<16xi32>
    %select_n3A_243 = arith.select %lt3A_240, %get3A_237, %broadcast_in_dim3A_242 : vector<16xi1>, vector<16xi32>
    tpu.vector_store_idx %arg5[%select_n3A_243], %broadcast_in_dim3A_235 masked %lt3A_240 : memref<49920xf32, #tpu.memory_space<vmem>>[vector<16xi32>], vector<16xf32>, vector<16xi1>
    %sub3A_244 = arith.constant 49920 : i32
    %sub3A_245 = vector.broadcast %sub3A_244 : i32 to vector<16xi32>
    %sub3A_246 = arith.subi %get3A_237, %sub3A_245 : vector<16xi32>
    %jit3A_247 = arith.constant 0 : i32
    %broadcast_in_dim3A_248 = vector.broadcast %jit3A_247 : i32 to vector<16xi32>
    %select_n3A_249 = arith.select %lt3A_240, %broadcast_in_dim3A_248, %sub3A_246 : vector<16xi1>, vector<16xi32>
    %not3A_250 = arith.constant dense<true> : vector<16xi1>
    %not3A_251 = arith.xori %lt3A_240, %not3A_250 : vector<16xi1>
    tpu.vector_store_idx %arg6[%select_n3A_249], %broadcast_in_dim3A_235 masked %not3A_251 : memref<50080xf32, #tpu.memory_space<vmem>>[vector<16xi32>], vector<16xf32>, vector<16xi1>
    %mul3A_252 = arith.constant 4 : i32
    %mul3A_253 = arith.muli %add3A, %mul3A_252 : i32
    %add3A_254 = arith.constant 2 : i32
    %add3A_255 = arith.addi %mul3A_253, %add3A_254 : i32
    %jit3A_256 = arith.constant 4 : i32
    %div3A_257 = arith.divsi %add3A_255, %jit3A_256 : i32
    %sign3A_258 = arith.constant 0 : i32
    %sign3A_259 = arith.cmpi sgt, %add3A_255, %sign3A_258 : i32
    %sign3A_260 = arith.extui %sign3A_259 : i1 to i32
    %sign3A_261 = arith.constant 0 : i32
    %sign3A_262 = arith.cmpi slt, %add3A_255, %sign3A_261 : i32
    %sign3A_263 = arith.extui %sign3A_262 : i1 to i32
    %sign3A_264 = arith.subi %sign3A_260, %sign3A_263 : i32
    %sign3A_265 = arith.constant 0 : i32
    %sign3A_266 = arith.cmpi sgt, %jit3A_256, %sign3A_265 : i32
    %sign3A_267 = arith.extui %sign3A_266 : i1 to i32
    %sign3A_268 = arith.constant 0 : i32
    %sign3A_269 = arith.cmpi slt, %jit3A_256, %sign3A_268 : i32
    %sign3A_270 = arith.extui %sign3A_269 : i1 to i32
    %sign3A_271 = arith.subi %sign3A_267, %sign3A_270 : i32
    %ne3A_272 = arith.cmpi ne, %sign3A_264, %sign3A_271 : i32
    %rem3A_273 = arith.remsi %add3A_255, %jit3A_256 : i32
    %ne3A_274 = arith.constant 0 : i32
    %ne3A_275 = arith.cmpi ne, %rem3A_273, %ne3A_274 : i32
    %and3A_276 = arith.andi %ne3A_272, %ne3A_275 : i1
    %sub3A_277 = arith.constant 1 : i32
    %sub3A_278 = arith.subi %div3A_257, %sub3A_277 : i32
    %select_n3A_279 = arith.select %and3A_276, %sub3A_278, %div3A_257 : i32
    %mul3A_280 = arith.constant 4 : i32
    %mul3A_281 = arith.muli %select_n3A_279, %mul3A_280 : i32
    %sub3A_282 = arith.subi %add3A_255, %mul3A_281 : i32
    "tpu.region"() ({
      %run_scoped3A = tpu.sem_alloc : memref<!tpu.dma_semaphore, #tpu.memory_space<semaphore_mem>>
      %dma_start3A_470 = arith.constant 0 : i32
      %dma_start3A_471 = tpu.memref_slice %arg2[%add3A_255, %dma_start3A_470] : memref<128x32xi32, #tpu.memory_space<hbm>> -> memref<1x32xi32, #tpu.memory_space<hbm>>
      %dma_start3A_472 = tpu.memref_squeeze %dma_start3A_471 : memref<1x32xi32, #tpu.memory_space<hbm>> -> memref<32xi32, #tpu.memory_space<hbm>>
      %dma_start3A_473 = arith.constant 0 : i32
      %dma_start3A_474 = tpu.memref_slice %arg2[%add3A_255, %dma_start3A_473] : memref<128x32xi32, #tpu.memory_space<hbm>> -> memref<1x32xi32, #tpu.memory_space<hbm>>
      %dma_start3A_475 = tpu.memref_squeeze %dma_start3A_474 : memref<1x32xi32, #tpu.memory_space<hbm>> -> memref<32xi32, #tpu.memory_space<hbm>>
      tpu.enqueue_dma source(%dma_start3A_475 : memref<32xi32, #tpu.memory_space<hbm>>) target(%arg7 : memref<32xi32, #tpu.memory_space<vmem>>) target_semaphore(%run_scoped3A : memref<!tpu.dma_semaphore, #tpu.memory_space<semaphore_mem>>)
      %dma_wait3A_476 = arith.constant 0 : i32
      %dma_wait3A_477 = tpu.memref_slice %arg2[%add3A_255, %dma_wait3A_476] : memref<128x32xi32, #tpu.memory_space<hbm>> -> memref<1x32xi32, #tpu.memory_space<hbm>>
      %dma_wait3A_478 = tpu.memref_squeeze %dma_wait3A_477 : memref<1x32xi32, #tpu.memory_space<hbm>> -> memref<32xi32, #tpu.memory_space<hbm>>
      %dma_wait3A_479 = arith.constant 0 : i32
      %dma_wait3A_480 = tpu.memref_slice %arg2[%add3A_255, %dma_wait3A_479] : memref<128x32xi32, #tpu.memory_space<hbm>> -> memref<1x32xi32, #tpu.memory_space<hbm>>
      %dma_wait3A_481 = tpu.memref_squeeze %dma_wait3A_480 : memref<1x32xi32, #tpu.memory_space<hbm>> -> memref<32xi32, #tpu.memory_space<hbm>>
      tpu.wait_dma2 semaphore(%run_scoped3A : memref<!tpu.dma_semaphore, #tpu.memory_space<semaphore_mem>>) src(%dma_wait3A_481 : memref<32xi32, #tpu.memory_space<hbm>>) dst(%arg7 : memref<32xi32, #tpu.memory_space<vmem>>)
      tpu.yield
    }) : () -> ()
    "tpu.region"() ({
      %run_scoped3A = tpu.sem_alloc : memref<!tpu.dma_semaphore, #tpu.memory_space<semaphore_mem>>
      %dma_start3A_470 = arith.constant 0 : i32
      %dma_start3A_471 = tpu.memref_slice %arg3[%add3A_255, %dma_start3A_470] : memref<128x32xf32, #tpu.memory_space<hbm>> -> memref<1x32xf32, #tpu.memory_space<hbm>>
      %dma_start3A_472 = tpu.memref_squeeze %dma_start3A_471 : memref<1x32xf32, #tpu.memory_space<hbm>> -> memref<32xf32, #tpu.memory_space<hbm>>
      %dma_start3A_473 = arith.constant 0 : i32
      %dma_start3A_474 = tpu.memref_slice %arg3[%add3A_255, %dma_start3A_473] : memref<128x32xf32, #tpu.memory_space<hbm>> -> memref<1x32xf32, #tpu.memory_space<hbm>>
      %dma_start3A_475 = tpu.memref_squeeze %dma_start3A_474 : memref<1x32xf32, #tpu.memory_space<hbm>> -> memref<32xf32, #tpu.memory_space<hbm>>
      tpu.enqueue_dma source(%dma_start3A_475 : memref<32xf32, #tpu.memory_space<hbm>>) target(%arg8 : memref<32xf32, #tpu.memory_space<vmem>>) target_semaphore(%run_scoped3A : memref<!tpu.dma_semaphore, #tpu.memory_space<semaphore_mem>>)
      %dma_wait3A_476 = arith.constant 0 : i32
      %dma_wait3A_477 = tpu.memref_slice %arg3[%add3A_255, %dma_wait3A_476] : memref<128x32xf32, #tpu.memory_space<hbm>> -> memref<1x32xf32, #tpu.memory_space<hbm>>
      %dma_wait3A_478 = tpu.memref_squeeze %dma_wait3A_477 : memref<1x32xf32, #tpu.memory_space<hbm>> -> memref<32xf32, #tpu.memory_space<hbm>>
      %dma_wait3A_479 = arith.constant 0 : i32
      %dma_wait3A_480 = tpu.memref_slice %arg3[%add3A_255, %dma_wait3A_479] : memref<128x32xf32, #tpu.memory_space<hbm>> -> memref<1x32xf32, #tpu.memory_space<hbm>>
      %dma_wait3A_481 = tpu.memref_squeeze %dma_wait3A_480 : memref<1x32xf32, #tpu.memory_space<hbm>> -> memref<32xf32, #tpu.memory_space<hbm>>
      tpu.wait_dma2 semaphore(%run_scoped3A : memref<!tpu.dma_semaphore, #tpu.memory_space<semaphore_mem>>) src(%dma_wait3A_481 : memref<32xf32, #tpu.memory_space<hbm>>) dst(%arg8 : memref<32xf32, #tpu.memory_space<vmem>>)
      tpu.yield
    }) : () -> ()
    %get3A_283 = arith.constant 0 : index
    %get3A_284 = tpu.vector_load %arg8[%get3A_283] {strides = array<i32>} : memref<32xf32, #tpu.memory_space<vmem>>, vector<16xf32>,
    %get3A_285 = arith.constant 0 : index
    %get3A_286 = tpu.vector_load %arg7[%get3A_285] {strides = array<i32>} : memref<32xi32, #tpu.memory_space<vmem>>, vector<16xi32>,
    %lt3A_287 = arith.constant 49920 : i32
    %lt3A_288 = vector.broadcast %lt3A_287 : i32 to vector<16xi32>
    %lt3A_289 = arith.cmpi slt, %get3A_286, %lt3A_288 : vector<16xi32>
    %jit3A_290 = arith.constant 0 : i32
    %broadcast_in_dim3A_291 = vector.broadcast %jit3A_290 : i32 to vector<16xi32>
    %select_n3A_292 = arith.select %lt3A_289, %get3A_286, %broadcast_in_dim3A_291 : vector<16xi1>, vector<16xi32>
    tpu.vector_store_idx %arg5[%select_n3A_292], %get3A_284 masked %lt3A_289 : memref<49920xf32, #tpu.memory_space<vmem>>[vector<16xi32>], vector<16xf32>, vector<16xi1>
    %sub3A_293 = arith.constant 49920 : i32
    %sub3A_294 = vector.broadcast %sub3A_293 : i32 to vector<16xi32>
    %sub3A_295 = arith.subi %get3A_286, %sub3A_294 : vector<16xi32>
    %jit3A_296 = arith.constant 0 : i32
    %broadcast_in_dim3A_297 = vector.broadcast %jit3A_296 : i32 to vector<16xi32>
    %select_n3A_298 = arith.select %lt3A_289, %broadcast_in_dim3A_297, %sub3A_295 : vector<16xi1>, vector<16xi32>
    %not3A_299 = arith.constant dense<true> : vector<16xi1>
    %not3A_300 = arith.xori %lt3A_289, %not3A_299 : vector<16xi1>
    tpu.vector_store_idx %arg6[%select_n3A_298], %get3A_284 masked %not3A_300 : memref<50080xf32, #tpu.memory_space<vmem>>[vector<16xi32>], vector<16xf32>, vector<16xi1>
    %get3A_301 = arith.constant 16 : index
    %get3A_302 = tpu.vector_load %arg8[%get3A_301] {strides = array<i32>} : memref<32xf32, #tpu.memory_space<vmem>>, vector<16xf32>,
    %get3A_303 = arith.constant 16 : index
    %get3A_304 = tpu.vector_load %arg7[%get3A_303] {strides = array<i32>} : memref<32xi32, #tpu.memory_space<vmem>>, vector<16xi32>,
    %lt3A_305 = arith.constant 49920 : i32
    %lt3A_306 = vector.broadcast %lt3A_305 : i32 to vector<16xi32>
    %lt3A_307 = arith.cmpi slt, %get3A_304, %lt3A_306 : vector<16xi32>
    %jit3A_308 = arith.constant 0 : i32
    %broadcast_in_dim3A_309 = vector.broadcast %jit3A_308 : i32 to vector<16xi32>
    %select_n3A_310 = arith.select %lt3A_307, %get3A_304, %broadcast_in_dim3A_309 : vector<16xi1>, vector<16xi32>
    tpu.vector_store_idx %arg5[%select_n3A_310], %get3A_302 masked %lt3A_307 : memref<49920xf32, #tpu.memory_space<vmem>>[vector<16xi32>], vector<16xf32>, vector<16xi1>
    %sub3A_311 = arith.constant 49920 : i32
    %sub3A_312 = vector.broadcast %sub3A_311 : i32 to vector<16xi32>
    %sub3A_313 = arith.subi %get3A_304, %sub3A_312 : vector<16xi32>
    %jit3A_314 = arith.constant 0 : i32
    %broadcast_in_dim3A_315 = vector.broadcast %jit3A_314 : i32 to vector<16xi32>
    %select_n3A_316 = arith.select %lt3A_307, %broadcast_in_dim3A_315, %sub3A_313 : vector<16xi1>, vector<16xi32>
    %not3A_317 = arith.constant dense<true> : vector<16xi1>
    %not3A_318 = arith.xori %lt3A_307, %not3A_317 : vector<16xi1>
    tpu.vector_store_idx %arg6[%select_n3A_316], %get3A_302 masked %not3A_318 : memref<50080xf32, #tpu.memory_space<vmem>>[vector<16xi32>], vector<16xf32>, vector<16xi1>
    %dma_start3A_319 = arith.constant 0 : i32
    %dma_start3A_320 = tpu.memref_slice %arg4[%select_n3A_279, %sub3A_282, %dma_start3A_319] : memref<32x4x100000xf32, #tpu.memory_space<hbm>> -> memref<1x1x49920xf32, #tpu.memory_space<hbm>>
    %dma_start3A_321 = tpu.memref_squeeze %dma_start3A_320 : memref<1x1x49920xf32, #tpu.memory_space<hbm>> -> memref<49920xf32, #tpu.memory_space<hbm>>
    %dma_start3A_322 = arith.constant 0 : i32
    %dma_start3A_323 = tpu.memref_slice %arg4[%select_n3A_279, %sub3A_282, %dma_start3A_322] : memref<32x4x100000xf32, #tpu.memory_space<hbm>> -> memref<1x1x49920xf32, #tpu.memory_space<hbm>>
    %dma_start3A_324 = tpu.memref_squeeze %dma_start3A_323 : memref<1x1x49920xf32, #tpu.memory_space<hbm>> -> memref<49920xf32, #tpu.memory_space<hbm>>
    tpu.enqueue_dma source(%arg5 : memref<49920xf32, #tpu.memory_space<vmem>>) target(%dma_start3A_324 : memref<49920xf32, #tpu.memory_space<hbm>>) target_semaphore(%arg9 : memref<!tpu.dma_semaphore, #tpu.memory_space<semaphore_mem>>)
    %dma_start3A_325 = arith.constant 49920 : i32
    %dma_start3A_326 = tpu.memref_slice %arg4[%select_n3A_279, %sub3A_282, %dma_start3A_325] : memref<32x4x100000xf32, #tpu.memory_space<hbm>> -> memref<1x1x50080xf32, #tpu.memory_space<hbm>>
    %dma_start3A_327 = tpu.memref_squeeze %dma_start3A_326 : memref<1x1x50080xf32, #tpu.memory_space<hbm>> -> memref<50080xf32, #tpu.memory_space<hbm>>
    %dma_start3A_328 = arith.constant 49920 : i32
    %dma_start3A_329 = tpu.memref_slice %arg4[%select_n3A_279, %sub3A_282, %dma_start3A_328] : memref<32x4x100000xf32, #tpu.memory_space<hbm>> -> memref<1x1x50080xf32, #tpu.memory_space<hbm>>
    %dma_start3A_330 = tpu.memref_squeeze %dma_start3A_329 : memref<1x1x50080xf32, #tpu.memory_space<hbm>> -> memref<50080xf32, #tpu.memory_space<hbm>>
    tpu.enqueue_dma source(%arg6 : memref<50080xf32, #tpu.memory_space<vmem>>) target(%dma_start3A_330 : memref<50080xf32, #tpu.memory_space<hbm>>) target_semaphore(%arg9 : memref<!tpu.dma_semaphore, #tpu.memory_space<semaphore_mem>>)
    %dma_wait3A_331 = arith.constant 0 : i32
    %dma_wait3A_332 = tpu.memref_slice %arg4[%select_n3A_279, %sub3A_282, %dma_wait3A_331] : memref<32x4x100000xf32, #tpu.memory_space<hbm>> -> memref<1x1x49920xf32, #tpu.memory_space<hbm>>
    %dma_wait3A_333 = tpu.memref_squeeze %dma_wait3A_332 : memref<1x1x49920xf32, #tpu.memory_space<hbm>> -> memref<49920xf32, #tpu.memory_space<hbm>>
    %dma_wait3A_334 = arith.constant 0 : i32
    %dma_wait3A_335 = tpu.memref_slice %arg4[%select_n3A_279, %sub3A_282, %dma_wait3A_334] : memref<32x4x100000xf32, #tpu.memory_space<hbm>> -> memref<1x1x49920xf32, #tpu.memory_space<hbm>>
    %dma_wait3A_336 = tpu.memref_squeeze %dma_wait3A_335 : memref<1x1x49920xf32, #tpu.memory_space<hbm>> -> memref<49920xf32, #tpu.memory_space<hbm>>
    tpu.wait_dma2 semaphore(%arg9 : memref<!tpu.dma_semaphore, #tpu.memory_space<semaphore_mem>>) src(%arg5 : memref<49920xf32, #tpu.memory_space<vmem>>) dst(%dma_wait3A_336 : memref<49920xf32, #tpu.memory_space<hbm>>)
    %dma_wait3A_337 = arith.constant 49920 : i32
    %dma_wait3A_338 = tpu.memref_slice %arg4[%select_n3A_279, %sub3A_282, %dma_wait3A_337] : memref<32x4x100000xf32, #tpu.memory_space<hbm>> -> memref<1x1x50080xf32, #tpu.memory_space<hbm>>
    %dma_wait3A_339 = tpu.memref_squeeze %dma_wait3A_338 : memref<1x1x50080xf32, #tpu.memory_space<hbm>> -> memref<50080xf32, #tpu.memory_space<hbm>>
    %dma_wait3A_340 = arith.constant 49920 : i32
    %dma_wait3A_341 = tpu.memref_slice %arg4[%select_n3A_279, %sub3A_282, %dma_wait3A_340] : memref<32x4x100000xf32, #tpu.memory_space<hbm>> -> memref<1x1x50080xf32, #tpu.memory_space<hbm>>
    %dma_wait3A_342 = tpu.memref_squeeze %dma_wait3A_341 : memref<1x1x50080xf32, #tpu.memory_space<hbm>> -> memref<50080xf32, #tpu.memory_space<hbm>>
    tpu.wait_dma2 semaphore(%arg9 : memref<!tpu.dma_semaphore, #tpu.memory_space<semaphore_mem>>) src(%arg6 : memref<50080xf32, #tpu.memory_space<vmem>>) dst(%dma_wait3A_342 : memref<50080xf32, #tpu.memory_space<hbm>>)
    %broadcast_in_dim3A_343 = arith.constant 0.000000e+00 : f32
    %broadcast_in_dim3A_344 = vector.broadcast %broadcast_in_dim3A_343 : f32 to vector<16xf32>
    %get3A_345 = arith.constant 0 : index
    %get3A_346 = tpu.vector_load %arg7[%get3A_345] {strides = array<i32>} : memref<32xi32, #tpu.memory_space<vmem>>, vector<16xi32>,
    %lt3A_347 = arith.constant 49920 : i32
    %lt3A_348 = vector.broadcast %lt3A_347 : i32 to vector<16xi32>
    %lt3A_349 = arith.cmpi slt, %get3A_346, %lt3A_348 : vector<16xi32>
    %jit3A_350 = arith.constant 0 : i32
    %broadcast_in_dim3A_351 = vector.broadcast %jit3A_350 : i32 to vector<16xi32>
    %select_n3A_352 = arith.select %lt3A_349, %get3A_346, %broadcast_in_dim3A_351 : vector<16xi1>, vector<16xi32>
    tpu.vector_store_idx %arg5[%select_n3A_352], %broadcast_in_dim3A_344 masked %lt3A_349 : memref<49920xf32, #tpu.memory_space<vmem>>[vector<16xi32>], vector<16xf32>, vector<16xi1>
    %sub3A_353 = arith.constant 49920 : i32
    %sub3A_354 = vector.broadcast %sub3A_353 : i32 to vector<16xi32>
    %sub3A_355 = arith.subi %get3A_346, %sub3A_354 : vector<16xi32>
    %jit3A_356 = arith.constant 0 : i32
    %broadcast_in_dim3A_357 = vector.broadcast %jit3A_356 : i32 to vector<16xi32>
    %select_n3A_358 = arith.select %lt3A_349, %broadcast_in_dim3A_357, %sub3A_355 : vector<16xi1>, vector<16xi32>
    %not3A_359 = arith.constant dense<true> : vector<16xi1>
    %not3A_360 = arith.xori %lt3A_349, %not3A_359 : vector<16xi1>
    tpu.vector_store_idx %arg6[%select_n3A_358], %broadcast_in_dim3A_344 masked %not3A_360 : memref<50080xf32, #tpu.memory_space<vmem>>[vector<16xi32>], vector<16xf32>, vector<16xi1>
    %broadcast_in_dim3A_361 = arith.constant 0.000000e+00 : f32
    %broadcast_in_dim3A_362 = vector.broadcast %broadcast_in_dim3A_361 : f32 to vector<16xf32>
    %get3A_363 = arith.constant 16 : index
    %get3A_364 = tpu.vector_load %arg7[%get3A_363] {strides = array<i32>} : memref<32xi32, #tpu.memory_space<vmem>>, vector<16xi32>,
    %lt3A_365 = arith.constant 49920 : i32
    %lt3A_366 = vector.broadcast %lt3A_365 : i32 to vector<16xi32>
    %lt3A_367 = arith.cmpi slt, %get3A_364, %lt3A_366 : vector<16xi32>
    %jit3A_368 = arith.constant 0 : i32
    %broadcast_in_dim3A_369 = vector.broadcast %jit3A_368 : i32 to vector<16xi32>
    %select_n3A_370 = arith.select %lt3A_367, %get3A_364, %broadcast_in_dim3A_369 : vector<16xi1>, vector<16xi32>
    tpu.vector_store_idx %arg5[%select_n3A_370], %broadcast_in_dim3A_362 masked %lt3A_367 : memref<49920xf32, #tpu.memory_space<vmem>>[vector<16xi32>], vector<16xf32>, vector<16xi1>
    %sub3A_371 = arith.constant 49920 : i32
    %sub3A_372 = vector.broadcast %sub3A_371 : i32 to vector<16xi32>
    %sub3A_373 = arith.subi %get3A_364, %sub3A_372 : vector<16xi32>
    %jit3A_374 = arith.constant 0 : i32
    %broadcast_in_dim3A_375 = vector.broadcast %jit3A_374 : i32 to vector<16xi32>
    %select_n3A_376 = arith.select %lt3A_367, %broadcast_in_dim3A_375, %sub3A_373 : vector<16xi1>, vector<16xi32>
    %not3A_377 = arith.constant dense<true> : vector<16xi1>
    %not3A_378 = arith.xori %lt3A_367, %not3A_377 : vector<16xi1>
    tpu.vector_store_idx %arg6[%select_n3A_376], %broadcast_in_dim3A_362 masked %not3A_378 : memref<50080xf32, #tpu.memory_space<vmem>>[vector<16xi32>], vector<16xf32>, vector<16xi1>
    %mul3A_379 = arith.constant 4 : i32
    %mul3A_380 = arith.muli %add3A, %mul3A_379 : i32
    %add3A_381 = arith.constant 3 : i32
    %add3A_382 = arith.addi %mul3A_380, %add3A_381 : i32
    %jit3A_383 = arith.constant 4 : i32
    %div3A_384 = arith.divsi %add3A_382, %jit3A_383 : i32
    %sign3A_385 = arith.constant 0 : i32
    %sign3A_386 = arith.cmpi sgt, %add3A_382, %sign3A_385 : i32
    %sign3A_387 = arith.extui %sign3A_386 : i1 to i32
    %sign3A_388 = arith.constant 0 : i32
    %sign3A_389 = arith.cmpi slt, %add3A_382, %sign3A_388 : i32
    %sign3A_390 = arith.extui %sign3A_389 : i1 to i32
    %sign3A_391 = arith.subi %sign3A_387, %sign3A_390 : i32
    %sign3A_392 = arith.constant 0 : i32
    %sign3A_393 = arith.cmpi sgt, %jit3A_383, %sign3A_392 : i32
    %sign3A_394 = arith.extui %sign3A_393 : i1 to i32
    %sign3A_395 = arith.constant 0 : i32
    %sign3A_396 = arith.cmpi slt, %jit3A_383, %sign3A_395 : i32
    %sign3A_397 = arith.extui %sign3A_396 : i1 to i32
    %sign3A_398 = arith.subi %sign3A_394, %sign3A_397 : i32
    %ne3A_399 = arith.cmpi ne, %sign3A_391, %sign3A_398 : i32
    %rem3A_400 = arith.remsi %add3A_382, %jit3A_383 : i32
    %ne3A_401 = arith.constant 0 : i32
    %ne3A_402 = arith.cmpi ne, %rem3A_400, %ne3A_401 : i32
    %and3A_403 = arith.andi %ne3A_399, %ne3A_402 : i1
    %sub3A_404 = arith.constant 1 : i32
    %sub3A_405 = arith.subi %div3A_384, %sub3A_404 : i32
    %select_n3A_406 = arith.select %and3A_403, %sub3A_405, %div3A_384 : i32
    %mul3A_407 = arith.constant 4 : i32
    %mul3A_408 = arith.muli %select_n3A_406, %mul3A_407 : i32
    %sub3A_409 = arith.subi %add3A_382, %mul3A_408 : i32
    "tpu.region"() ({
      %run_scoped3A = tpu.sem_alloc : memref<!tpu.dma_semaphore, #tpu.memory_space<semaphore_mem>>
      %dma_start3A_470 = arith.constant 0 : i32
      %dma_start3A_471 = tpu.memref_slice %arg2[%add3A_382, %dma_start3A_470] : memref<128x32xi32, #tpu.memory_space<hbm>> -> memref<1x32xi32, #tpu.memory_space<hbm>>
      %dma_start3A_472 = tpu.memref_squeeze %dma_start3A_471 : memref<1x32xi32, #tpu.memory_space<hbm>> -> memref<32xi32, #tpu.memory_space<hbm>>
      %dma_start3A_473 = arith.constant 0 : i32
      %dma_start3A_474 = tpu.memref_slice %arg2[%add3A_382, %dma_start3A_473] : memref<128x32xi32, #tpu.memory_space<hbm>> -> memref<1x32xi32, #tpu.memory_space<hbm>>
      %dma_start3A_475 = tpu.memref_squeeze %dma_start3A_474 : memref<1x32xi32, #tpu.memory_space<hbm>> -> memref<32xi32, #tpu.memory_space<hbm>>
      tpu.enqueue_dma source(%dma_start3A_475 : memref<32xi32, #tpu.memory_space<hbm>>) target(%arg7 : memref<32xi32, #tpu.memory_space<vmem>>) target_semaphore(%run_scoped3A : memref<!tpu.dma_semaphore, #tpu.memory_space<semaphore_mem>>)
      %dma_wait3A_476 = arith.constant 0 : i32
      %dma_wait3A_477 = tpu.memref_slice %arg2[%add3A_382, %dma_wait3A_476] : memref<128x32xi32, #tpu.memory_space<hbm>> -> memref<1x32xi32, #tpu.memory_space<hbm>>
      %dma_wait3A_478 = tpu.memref_squeeze %dma_wait3A_477 : memref<1x32xi32, #tpu.memory_space<hbm>> -> memref<32xi32, #tpu.memory_space<hbm>>
      %dma_wait3A_479 = arith.constant 0 : i32
      %dma_wait3A_480 = tpu.memref_slice %arg2[%add3A_382, %dma_wait3A_479] : memref<128x32xi32, #tpu.memory_space<hbm>> -> memref<1x32xi32, #tpu.memory_space<hbm>>
      %dma_wait3A_481 = tpu.memref_squeeze %dma_wait3A_480 : memref<1x32xi32, #tpu.memory_space<hbm>> -> memref<32xi32, #tpu.memory_space<hbm>>
      tpu.wait_dma2 semaphore(%run_scoped3A : memref<!tpu.dma_semaphore, #tpu.memory_space<semaphore_mem>>) src(%dma_wait3A_481 : memref<32xi32, #tpu.memory_space<hbm>>) dst(%arg7 : memref<32xi32, #tpu.memory_space<vmem>>)
      tpu.yield
    }) : () -> ()
    "tpu.region"() ({
      %run_scoped3A = tpu.sem_alloc : memref<!tpu.dma_semaphore, #tpu.memory_space<semaphore_mem>>
      %dma_start3A_470 = arith.constant 0 : i32
      %dma_start3A_471 = tpu.memref_slice %arg3[%add3A_382, %dma_start3A_470] : memref<128x32xf32, #tpu.memory_space<hbm>> -> memref<1x32xf32, #tpu.memory_space<hbm>>
      %dma_start3A_472 = tpu.memref_squeeze %dma_start3A_471 : memref<1x32xf32, #tpu.memory_space<hbm>> -> memref<32xf32, #tpu.memory_space<hbm>>
      %dma_start3A_473 = arith.constant 0 : i32
      %dma_start3A_474 = tpu.memref_slice %arg3[%add3A_382, %dma_start3A_473] : memref<128x32xf32, #tpu.memory_space<hbm>> -> memref<1x32xf32, #tpu.memory_space<hbm>>
      %dma_start3A_475 = tpu.memref_squeeze %dma_start3A_474 : memref<1x32xf32, #tpu.memory_space<hbm>> -> memref<32xf32, #tpu.memory_space<hbm>>
      tpu.enqueue_dma source(%dma_start3A_475 : memref<32xf32, #tpu.memory_space<hbm>>) target(%arg8 : memref<32xf32, #tpu.memory_space<vmem>>) target_semaphore(%run_scoped3A : memref<!tpu.dma_semaphore, #tpu.memory_space<semaphore_mem>>)
      %dma_wait3A_476 = arith.constant 0 : i32
      %dma_wait3A_477 = tpu.memref_slice %arg3[%add3A_382, %dma_wait3A_476] : memref<128x32xf32, #tpu.memory_space<hbm>> -> memref<1x32xf32, #tpu.memory_space<hbm>>
      %dma_wait3A_478 = tpu.memref_squeeze %dma_wait3A_477 : memref<1x32xf32, #tpu.memory_space<hbm>> -> memref<32xf32, #tpu.memory_space<hbm>>
      %dma_wait3A_479 = arith.constant 0 : i32
      %dma_wait3A_480 = tpu.memref_slice %arg3[%add3A_382, %dma_wait3A_479] : memref<128x32xf32, #tpu.memory_space<hbm>> -> memref<1x32xf32, #tpu.memory_space<hbm>>
      %dma_wait3A_481 = tpu.memref_squeeze %dma_wait3A_480 : memref<1x32xf32, #tpu.memory_space<hbm>> -> memref<32xf32, #tpu.memory_space<hbm>>
      tpu.wait_dma2 semaphore(%run_scoped3A : memref<!tpu.dma_semaphore, #tpu.memory_space<semaphore_mem>>) src(%dma_wait3A_481 : memref<32xf32, #tpu.memory_space<hbm>>) dst(%arg8 : memref<32xf32, #tpu.memory_space<vmem>>)
      tpu.yield
    }) : () -> ()
    %get3A_410 = arith.constant 0 : index
    %get3A_411 = tpu.vector_load %arg8[%get3A_410] {strides = array<i32>} : memref<32xf32, #tpu.memory_space<vmem>>, vector<16xf32>,
    %get3A_412 = arith.constant 0 : index
    %get3A_413 = tpu.vector_load %arg7[%get3A_412] {strides = array<i32>} : memref<32xi32, #tpu.memory_space<vmem>>, vector<16xi32>,
    %lt3A_414 = arith.constant 49920 : i32
    %lt3A_415 = vector.broadcast %lt3A_414 : i32 to vector<16xi32>
    %lt3A_416 = arith.cmpi slt, %get3A_413, %lt3A_415 : vector<16xi32>
    %jit3A_417 = arith.constant 0 : i32
    %broadcast_in_dim3A_418 = vector.broadcast %jit3A_417 : i32 to vector<16xi32>
    %select_n3A_419 = arith.select %lt3A_416, %get3A_413, %broadcast_in_dim3A_418 : vector<16xi1>, vector<16xi32>
    tpu.vector_store_idx %arg5[%select_n3A_419], %get3A_411 masked %lt3A_416 : memref<49920xf32, #tpu.memory_space<vmem>>[vector<16xi32>], vector<16xf32>, vector<16xi1>
    %sub3A_420 = arith.constant 49920 : i32
    %sub3A_421 = vector.broadcast %sub3A_420 : i32 to vector<16xi32>
    %sub3A_422 = arith.subi %get3A_413, %sub3A_421 : vector<16xi32>
    %jit3A_423 = arith.constant 0 : i32
    %broadcast_in_dim3A_424 = vector.broadcast %jit3A_423 : i32 to vector<16xi32>
    %select_n3A_425 = arith.select %lt3A_416, %broadcast_in_dim3A_424, %sub3A_422 : vector<16xi1>, vector<16xi32>
    %not3A_426 = arith.constant dense<true> : vector<16xi1>
    %not3A_427 = arith.xori %lt3A_416, %not3A_426 : vector<16xi1>
    tpu.vector_store_idx %arg6[%select_n3A_425], %get3A_411 masked %not3A_427 : memref<50080xf32, #tpu.memory_space<vmem>>[vector<16xi32>], vector<16xf32>, vector<16xi1>
    %get3A_428 = arith.constant 16 : index
    %get3A_429 = tpu.vector_load %arg8[%get3A_428] {strides = array<i32>} : memref<32xf32, #tpu.memory_space<vmem>>, vector<16xf32>,
    %get3A_430 = arith.constant 16 : index
    %get3A_431 = tpu.vector_load %arg7[%get3A_430] {strides = array<i32>} : memref<32xi32, #tpu.memory_space<vmem>>, vector<16xi32>,
    %lt3A_432 = arith.constant 49920 : i32
    %lt3A_433 = vector.broadcast %lt3A_432 : i32 to vector<16xi32>
    %lt3A_434 = arith.cmpi slt, %get3A_431, %lt3A_433 : vector<16xi32>
    %jit3A_435 = arith.constant 0 : i32
    %broadcast_in_dim3A_436 = vector.broadcast %jit3A_435 : i32 to vector<16xi32>
    %select_n3A_437 = arith.select %lt3A_434, %get3A_431, %broadcast_in_dim3A_436 : vector<16xi1>, vector<16xi32>
    tpu.vector_store_idx %arg5[%select_n3A_437], %get3A_429 masked %lt3A_434 : memref<49920xf32, #tpu.memory_space<vmem>>[vector<16xi32>], vector<16xf32>, vector<16xi1>
    %sub3A_438 = arith.constant 49920 : i32
    %sub3A_439 = vector.broadcast %sub3A_438 : i32 to vector<16xi32>
    %sub3A_440 = arith.subi %get3A_431, %sub3A_439 : vector<16xi32>
    %jit3A_441 = arith.constant 0 : i32
    %broadcast_in_dim3A_442 = vector.broadcast %jit3A_441 : i32 to vector<16xi32>
    %select_n3A_443 = arith.select %lt3A_434, %broadcast_in_dim3A_442, %sub3A_440 : vector<16xi1>, vector<16xi32>
    %not3A_444 = arith.constant dense<true> : vector<16xi1>
    %not3A_445 = arith.xori %lt3A_434, %not3A_444 : vector<16xi1>
    tpu.vector_store_idx %arg6[%select_n3A_443], %get3A_429 masked %not3A_445 : memref<50080xf32, #tpu.memory_space<vmem>>[vector<16xi32>], vector<16xf32>, vector<16xi1>
    %dma_start3A_446 = arith.constant 0 : i32
    %dma_start3A_447 = tpu.memref_slice %arg4[%select_n3A_406, %sub3A_409, %dma_start3A_446] : memref<32x4x100000xf32, #tpu.memory_space<hbm>> -> memref<1x1x49920xf32, #tpu.memory_space<hbm>>
    %dma_start3A_448 = tpu.memref_squeeze %dma_start3A_447 : memref<1x1x49920xf32, #tpu.memory_space<hbm>> -> memref<49920xf32, #tpu.memory_space<hbm>>
    %dma_start3A_449 = arith.constant 0 : i32
    %dma_start3A_450 = tpu.memref_slice %arg4[%select_n3A_406, %sub3A_409, %dma_start3A_449] : memref<32x4x100000xf32, #tpu.memory_space<hbm>> -> memref<1x1x49920xf32, #tpu.memory_space<hbm>>
    %dma_start3A_451 = tpu.memref_squeeze %dma_start3A_450 : memref<1x1x49920xf32, #tpu.memory_space<hbm>> -> memref<49920xf32, #tpu.memory_space<hbm>>
    tpu.enqueue_dma source(%arg5 : memref<49920xf32, #tpu.memory_space<vmem>>) target(%dma_start3A_451 : memref<49920xf32, #tpu.memory_space<hbm>>) target_semaphore(%arg9 : memref<!tpu.dma_semaphore, #tpu.memory_space<semaphore_mem>>)
    %dma_start3A_452 = arith.constant 49920 : i32
    %dma_start3A_453 = tpu.memref_slice %arg4[%select_n3A_406, %sub3A_409, %dma_start3A_452] : memref<32x4x100000xf32, #tpu.memory_space<hbm>> -> memref<1x1x50080xf32, #tpu.memory_space<hbm>>
    %dma_start3A_454 = tpu.memref_squeeze %dma_start3A_453 : memref<1x1x50080xf32, #tpu.memory_space<hbm>> -> memref<50080xf32, #tpu.memory_space<hbm>>
    %dma_start3A_455 = arith.constant 49920 : i32
    %dma_start3A_456 = tpu.memref_slice %arg4[%select_n3A_406, %sub3A_409, %dma_start3A_455] : memref<32x4x100000xf32, #tpu.memory_space<hbm>> -> memref<1x1x50080xf32, #tpu.memory_space<hbm>>
    %dma_start3A_457 = tpu.memref_squeeze %dma_start3A_456 : memref<1x1x50080xf32, #tpu.memory_space<hbm>> -> memref<50080xf32, #tpu.memory_space<hbm>>
    tpu.enqueue_dma source(%arg6 : memref<50080xf32, #tpu.memory_space<vmem>>) target(%dma_start3A_457 : memref<50080xf32, #tpu.memory_space<hbm>>) target_semaphore(%arg9 : memref<!tpu.dma_semaphore, #tpu.memory_space<semaphore_mem>>)
    %dma_wait3A_458 = arith.constant 0 : i32
    %dma_wait3A_459 = tpu.memref_slice %arg4[%select_n3A_406, %sub3A_409, %dma_wait3A_458] : memref<32x4x100000xf32, #tpu.memory_space<hbm>> -> memref<1x1x49920xf32, #tpu.memory_space<hbm>>
    %dma_wait3A_460 = tpu.memref_squeeze %dma_wait3A_459 : memref<1x1x49920xf32, #tpu.memory_space<hbm>> -> memref<49920xf32, #tpu.memory_space<hbm>>
    %dma_wait3A_461 = arith.constant 0 : i32
    %dma_wait3A_462 = tpu.memref_slice %arg4[%select_n3A_406, %sub3A_409, %dma_wait3A_461] : memref<32x4x100000xf32, #tpu.memory_space<hbm>> -> memref<1x1x49920xf32, #tpu.memory_space<hbm>>
    %dma_wait3A_463 = tpu.memref_squeeze %dma_wait3A_462 : memref<1x1x49920xf32, #tpu.memory_space<hbm>> -> memref<49920xf32, #tpu.memory_space<hbm>>
    tpu.wait_dma2 semaphore(%arg9 : memref<!tpu.dma_semaphore, #tpu.memory_space<semaphore_mem>>) src(%arg5 : memref<49920xf32, #tpu.memory_space<vmem>>) dst(%dma_wait3A_463 : memref<49920xf32, #tpu.memory_space<hbm>>)
    %dma_wait3A_464 = arith.constant 49920 : i32
    %dma_wait3A_465 = tpu.memref_slice %arg4[%select_n3A_406, %sub3A_409, %dma_wait3A_464] : memref<32x4x100000xf32, #tpu.memory_space<hbm>> -> memref<1x1x50080xf32, #tpu.memory_space<hbm>>
    %dma_wait3A_466 = tpu.memref_squeeze %dma_wait3A_465 : memref<1x1x50080xf32, #tpu.memory_space<hbm>> -> memref<50080xf32, #tpu.memory_space<hbm>>
    %dma_wait3A_467 = arith.constant 49920 : i32
    %dma_wait3A_468 = tpu.memref_slice %arg4[%select_n3A_406, %sub3A_409, %dma_wait3A_467] : memref<32x4x100000xf32, #tpu.memory_space<hbm>> -> memref<1x1x50080xf32, #tpu.memory_space<hbm>>
    %dma_wait3A_469 = tpu.memref_squeeze %dma_wait3A_468 : memref<1x1x50080xf32, #tpu.memory_space<hbm>> -> memref<50080xf32, #tpu.memory_space<hbm>>
    tpu.wait_dma2 semaphore(%arg9 : memref<!tpu.dma_semaphore, #tpu.memory_space<semaphore_mem>>) src(%arg6 : memref<50080xf32, #tpu.memory_space<vmem>>) dst(%dma_wait3A_469 : memref<50080xf32, #tpu.memory_space<hbm>>)
    return
  }
}

module attributes {stable_mosaic.version = 14 : i64} {
  func.func @_dense_body(%arg0: memref<128x32xi32, #tpu.memory_space<vmem>>, %arg1: memref<128x32xf32, #tpu.memory_space<vmem>>, %arg2: memref<32x64xf32, #tpu.memory_space<vmem>>, %arg3: memref<1x32xf32, #tpu.memory_space<vmem>>, %arg4: memref<6x32xf32, #tpu.memory_space<vmem>>, %arg5: memref<1x6xf32, #tpu.memory_space<vmem>>, %arg6: memref<32x64xf32, #tpu.memory_space<vmem>>, %arg7: memref<1x32xf32, #tpu.memory_space<vmem>>, %arg8: memref<1x32xf32, #tpu.memory_space<vmem>>, %arg9: memref<1x1xf32, #tpu.memory_space<vmem>>, %arg10: memref<128x32xf32, #tpu.memory_space<vmem>>) attributes {dimension_semantics = [], scalar_prefetch = 0 : i64, scratch_operands = 0 : i64, tpu.core_type = #tpu.core_type<tc>} {
    %get3A = arith.constant 0 : index
    %get3A_0 = arith.constant 0 : index
    %get3A_1 = vector.load %arg0[%get3A, %get3A_0] : memref<128x32xi32, #tpu.memory_space<vmem>>, vector<128x32xi32>
    %get3A_2 = arith.constant 0 : index
    %get3A_3 = arith.constant 0 : index
    %get3A_4 = vector.load %arg1[%get3A_2, %get3A_3] : memref<128x32xf32, #tpu.memory_space<vmem>>, vector<128x32xf32>
    %broadcast_in_dim3A = vector.shape_cast %get3A_1 : vector<128x32xi32> to vector<128x32x1xi32>
    %broadcast_in_dim3A_5 = vector.shape_cast %get3A_1 : vector<128x32xi32> to vector<128x1x32xi32>
    %eq3A = vector.broadcast %broadcast_in_dim3A : vector<128x32x1xi32> to vector<128x32x32xi32>
    %eq3A_6 = vector.broadcast %broadcast_in_dim3A_5 : vector<128x1x32xi32> to vector<128x32x32xi32>
    %eq3A_7 = arith.cmpi eq, %eq3A, %eq3A_6 : vector<128x32x32xi32>
    %convert_element_type3A = arith.extui %eq3A_7 : vector<128x32x32xi1> to vector<128x32x32xi32>
    %convert_element_type3A_8 = arith.sitofp %convert_element_type3A : vector<128x32x32xi32> to vector<128x32x32xf32>
    %iota3A = tpu.iota {dimensions = array<i32: 0>} : vector<32x32xi32>
    %iota3A_9 = tpu.iota {dimensions = array<i32: 1>} : vector<32x32xi32>
    %lt3A = arith.cmpi slt, %iota3A_9, %iota3A : vector<32x32xi32>
    %convert_element_type3A_10 = arith.extui %lt3A : vector<32x32xi1> to vector<32x32xi32>
    %convert_element_type3A_11 = arith.sitofp %convert_element_type3A_10 : vector<32x32xi32> to vector<32x32xf32>
    %broadcast_in_dim3A_12 = arith.constant 1.000000e+00 : f32
    %broadcast_in_dim3A_13 = vector.broadcast %broadcast_in_dim3A_12 : f32 to vector<32x1xf32>
    %broadcast_in_dim3A_14 = vector.shape_cast %convert_element_type3A_11 : vector<32x32xf32> to vector<1x32x32xf32>
    %mul3A = vector.broadcast %broadcast_in_dim3A_14 : vector<1x32x32xf32> to vector<128x32x32xf32>
    %mul3A_15 = arith.mulf %convert_element_type3A_8, %mul3A : vector<128x32x32xf32>
    %reshape3A = vector.shape_cast %mul3A_15 : vector<128x32x32xf32> to vector<4096x32xf32>
    %dot_general3A = arith.constant dense<0.000000e+00> : vector<4096x1xf32>
    %dot_general3A_16 = tpu.matmul %reshape3A, %broadcast_in_dim3A_13, %dot_general3A {dimension_numbers = #tpu.dot_dimension_numbers<[1], [0], [0], [1], [0, 0, 1, 1], [], []>, transpose_lhs_hint = false} : vector<4096x32xf32>, vector<32x1xf32>, vector<4096x1xf32> -> vector<4096x1xf32>
    %reshape3A_17 = vector.shape_cast %dot_general3A_16 : vector<4096x1xf32> to vector<128x32xf32>
    %ne3A = arith.constant 0 : i32
    %ne3A_18 = vector.broadcast %ne3A : i32 to vector<128x32xi32>
    %ne3A_19 = arith.cmpi ne, %get3A_1, %ne3A_18 : vector<128x32xi32>
    %lt3A_20 = arith.constant 5.000000e-01 : f32
    %lt3A_21 = vector.broadcast %lt3A_20 : f32 to vector<128x32xf32>
    %lt3A_22 = arith.cmpf olt, %reshape3A_17, %lt3A_21 : vector<128x32xf32>
    %and3A = arith.andi %ne3A_19, %lt3A_22 : vector<128x32xi1>
    %jit3A = arith.constant 1.000000e+00 : f32
    %jit3A_23 = arith.constant 0.000000e+00 : f32
    %broadcast_in_dim3A_24 = vector.broadcast %jit3A : f32 to vector<128x32xf32>
    %broadcast_in_dim3A_25 = vector.broadcast %jit3A_23 : f32 to vector<128x32xf32>
    %select_n3A = arith.select %and3A, %broadcast_in_dim3A_24, %broadcast_in_dim3A_25 : vector<128x32xi1>, vector<128x32xf32>
    %le3A = arith.cmpi sle, %iota3A_9, %iota3A : vector<32x32xi32>
    %convert_element_type3A_26 = arith.extui %le3A : vector<32x32xi1> to vector<32x32xi32>
    %convert_element_type3A_27 = arith.sitofp %convert_element_type3A_26 : vector<32x32xi32> to vector<32x32xf32>
    %dot_general3A_28 = arith.constant dense<0.000000e+00> : vector<128x32xf32>
    %dot_general3A_29 = tpu.matmul %select_n3A, %convert_element_type3A_27, %dot_general3A_28 {dimension_numbers = #tpu.dot_dimension_numbers<[1], [1], [0], [0], [0, 0, 1, 0], [], []>, transpose_lhs_hint = false} : vector<128x32xf32>, vector<32x32xf32>, vector<128x32xf32> -> vector<128x32xf32>
    %concatenate3A = tpu.concatenate %get3A_4, %dot_general3A_29 in 1 : vector<128x32xf32>, vector<128x32xf32> -> vector<128x64xf32>
    %get3A_30 = arith.constant 0 : index
    %get3A_31 = arith.constant 0 : index
    %get3A_32 = vector.load %arg2[%get3A_30, %get3A_31] : memref<32x64xf32, #tpu.memory_space<vmem>>, vector<32x64xf32>
    %transpose3A = tpu.transpose %get3A_32, [1, 0] : vector<32x64xf32> -> vector<64x32xf32>
    %dot_general3A_33 = arith.constant dense<0.000000e+00> : vector<128x32xf32>
    %dot_general3A_34 = tpu.matmul %concatenate3A, %transpose3A, %dot_general3A_33 {dimension_numbers = #tpu.dot_dimension_numbers<[1], [0], [0], [1], [0, 0, 1, 1], [], []>, transpose_lhs_hint = false} : vector<128x64xf32>, vector<64x32xf32>, vector<128x32xf32> -> vector<128x32xf32>
    %get3A_35 = arith.constant 0 : index
    %get3A_36 = arith.constant 0 : index
    %get3A_37 = vector.load %arg3[%get3A_35, %get3A_36] : memref<1x32xf32, #tpu.memory_space<vmem>>, vector<1x32xf32>
    %add3A = vector.broadcast %get3A_37 : vector<1x32xf32> to vector<128x32xf32>
    %add3A_38 = arith.addf %dot_general3A_34, %add3A : vector<128x32xf32>
    %tanh3A = math.tanh %add3A_38 : vector<128x32xf32>
    %get3A_39 = arith.constant 0 : index
    %get3A_40 = arith.constant 0 : index
    %get3A_41 = vector.load %arg4[%get3A_39, %get3A_40] : memref<6x32xf32, #tpu.memory_space<vmem>>, vector<6x32xf32>
    %transpose3A_42 = tpu.transpose %get3A_41, [1, 0] : vector<6x32xf32> -> vector<32x6xf32>
    %dot_general3A_43 = arith.constant dense<0.000000e+00> : vector<128x6xf32>
    %dot_general3A_44 = tpu.matmul %tanh3A, %transpose3A_42, %dot_general3A_43 {dimension_numbers = #tpu.dot_dimension_numbers<[1], [0], [0], [1], [0, 0, 1, 1], [], []>, transpose_lhs_hint = false} : vector<128x32xf32>, vector<32x6xf32>, vector<128x6xf32> -> vector<128x6xf32>
    %get3A_45 = arith.constant 0 : index
    %get3A_46 = arith.constant 0 : index
    %get3A_47 = vector.load %arg5[%get3A_45, %get3A_46] : memref<1x6xf32, #tpu.memory_space<vmem>>, vector<1x6xf32>
    %add3A_48 = vector.broadcast %get3A_47 : vector<1x6xf32> to vector<128x6xf32>
    %add3A_49 = arith.addf %dot_general3A_44, %add3A_48 : vector<128x6xf32>
    %reduce_max3A = arith.constant dense<0xFF800000> : vector<128xf32>
    %reduce_max3A_50 = vector.multi_reduction <maximumf>, %add3A_49, %reduce_max3A [1] : vector<128x6xf32> to vector<128xf32>
    %broadcast_in_dim3A_51 = vector.shape_cast %reduce_max3A_50 : vector<128xf32> to vector<128x1xf32>
    %sub3A = vector.broadcast %broadcast_in_dim3A_51 : vector<128x1xf32> to vector<128x6xf32>
    %sub3A_52 = arith.subf %add3A_49, %sub3A : vector<128x6xf32>
    %exp3A = math.exp %sub3A_52 : vector<128x6xf32>
    %reduce_sum3A = arith.constant dense<0.000000e+00> : vector<128xf32>
    %reduce_sum3A_53 = vector.multi_reduction <add>, %exp3A, %reduce_sum3A [1] : vector<128x6xf32> to vector<128xf32>
    %broadcast_in_dim3A_54 = vector.shape_cast %reduce_sum3A_53 : vector<128xf32> to vector<128x1xf32>
    %div3A = vector.broadcast %broadcast_in_dim3A_54 : vector<128x1xf32> to vector<128x6xf32>
    %div3A_55 = arith.divf %exp3A, %div3A : vector<128x6xf32>
    %get3A_56 = arith.constant 0 : index
    %get3A_57 = arith.constant 0 : index
    %get3A_58 = vector.load %arg6[%get3A_56, %get3A_57] : memref<32x64xf32, #tpu.memory_space<vmem>>, vector<32x64xf32>
    %transpose3A_59 = tpu.transpose %get3A_58, [1, 0] : vector<32x64xf32> -> vector<64x32xf32>
    %dot_general3A_60 = arith.constant dense<0.000000e+00> : vector<128x32xf32>
    %dot_general3A_61 = tpu.matmul %concatenate3A, %transpose3A_59, %dot_general3A_60 {dimension_numbers = #tpu.dot_dimension_numbers<[1], [0], [0], [1], [0, 0, 1, 1], [], []>, transpose_lhs_hint = false} : vector<128x64xf32>, vector<64x32xf32>, vector<128x32xf32> -> vector<128x32xf32>
    %get3A_62 = arith.constant 0 : index
    %get3A_63 = arith.constant 0 : index
    %get3A_64 = vector.load %arg7[%get3A_62, %get3A_63] : memref<1x32xf32, #tpu.memory_space<vmem>>, vector<1x32xf32>
    %add3A_65 = vector.broadcast %get3A_64 : vector<1x32xf32> to vector<128x32xf32>
    %add3A_66 = arith.addf %dot_general3A_61, %add3A_65 : vector<128x32xf32>
    %tanh3A_67 = math.tanh %add3A_66 : vector<128x32xf32>
    %get3A_68 = arith.constant 0 : index
    %get3A_69 = arith.constant 0 : index
    %get3A_70 = vector.load %arg8[%get3A_68, %get3A_69] : memref<1x32xf32, #tpu.memory_space<vmem>>, vector<1x32xf32>
    %mul3A_71 = vector.broadcast %get3A_70 : vector<1x32xf32> to vector<128x32xf32>
    %mul3A_72 = arith.mulf %tanh3A_67, %mul3A_71 : vector<128x32xf32>
    %reduce_sum3A_73 = arith.constant dense<0.000000e+00> : vector<128xf32>
    %reduce_sum3A_74 = vector.multi_reduction <add>, %mul3A_72, %reduce_sum3A_73 [1] : vector<128x32xf32> to vector<128xf32>
    %broadcast_in_dim3A_75 = vector.shape_cast %reduce_sum3A_74 : vector<128xf32> to vector<128x1xf32>
    %get3A_76 = arith.constant 0 : index
    %get3A_77 = arith.constant 0 : index
    %get3A_78 = vector.load %arg9[%get3A_76, %get3A_77] : memref<1x1xf32, #tpu.memory_space<vmem>>, vector<1x1xf32>
    %add3A_79 = vector.broadcast %get3A_78 : vector<1x1xf32> to vector<128x1xf32>
    %add3A_80 = arith.addf %broadcast_in_dim3A_75, %add3A_79 : vector<128x1xf32>
    %neg3A = arith.constant 0.000000e+00 : f32
    %neg3A_81 = vector.broadcast %neg3A : f32 to vector<128x1xf32>
    %neg3A_82 = arith.subf %neg3A_81, %add3A_80 : vector<128x1xf32>
    %exp3A_83 = math.exp %neg3A_82 : vector<128x1xf32>
    %add3A_84 = arith.constant 1.000000e+00 : f32
    %add3A_85 = vector.broadcast %add3A_84 : f32 to vector<128x1xf32>
    %add3A_86 = arith.addf %add3A_85, %exp3A_83 : vector<128x1xf32>
    %div3A_87 = arith.constant 1.000000e+00 : f32
    %div3A_88 = vector.broadcast %div3A_87 : f32 to vector<128x1xf32>
    %div3A_89 = arith.divf %div3A_88, %add3A_86 : vector<128x1xf32>
    %iota3A_90 = tpu.iota {dimensions = array<i32: 0>} : vector<6x32xi32>
    %iota3A_91 = tpu.iota {dimensions = array<i32: 1>} : vector<6x32xi32>
    %shift_left3A = arith.constant 1 : i32
    %shift_left3A_92 = vector.broadcast %shift_left3A : i32 to vector<6x32xi32>
    %shift_left3A_93 = arith.shli %shift_left3A_92, %iota3A_90 : vector<6x32xi32>
    %lt3A_94 = arith.cmpi slt, %iota3A_91, %shift_left3A_93 : vector<6x32xi32>
    %jit3A_95 = arith.constant 1.000000e+00 : f32
    %jit3A_96 = arith.constant 1.000000e+03 : f32
    %broadcast_in_dim3A_97 = vector.broadcast %jit3A_95 : f32 to vector<6x32xf32>
    %broadcast_in_dim3A_98 = vector.broadcast %jit3A_96 : f32 to vector<6x32xf32>
    %select_n3A_99 = arith.select %lt3A_94, %broadcast_in_dim3A_97, %broadcast_in_dim3A_98 : vector<6x32xi1>, vector<6x32xf32>
    %broadcast_in_dim3A_100 = vector.shape_cast %get3A_4 : vector<128x32xf32> to vector<128x1x32xf32>
    %broadcast_in_dim3A_101 = vector.shape_cast %select_n3A_99 : vector<6x32xf32> to vector<1x6x32xf32>
    %mul3A_102 = vector.broadcast %broadcast_in_dim3A_100 : vector<128x1x32xf32> to vector<128x6x32xf32>
    %mul3A_103 = vector.broadcast %broadcast_in_dim3A_101 : vector<1x6x32xf32> to vector<128x6x32xf32>
    %mul3A_104 = arith.mulf %mul3A_102, %mul3A_103 : vector<128x6x32xf32>
    %neg3A_105 = arith.constant 0.000000e+00 : f32
    %neg3A_106 = vector.broadcast %neg3A_105 : f32 to vector<128x6x32xf32>
    %neg3A_107 = arith.subf %neg3A_106, %mul3A_104 : vector<128x6x32xf32>
    %broadcast_in_dim3A_108 = vector.shape_cast %div3A_89 : vector<128x1xf32> to vector<128x1x1xf32>
    %div3A_109 = vector.broadcast %broadcast_in_dim3A_108 : vector<128x1x1xf32> to vector<128x6x32xf32>
    %div3A_110 = arith.divf %neg3A_107, %div3A_109 : vector<128x6x32xf32>
    %reduce_max3A_111 = arith.constant dense<0xFF800000> : vector<128x6xf32>
    %reduce_max3A_112 = vector.multi_reduction <maximumf>, %div3A_110, %reduce_max3A_111 [2] : vector<128x6x32xf32> to vector<128x6xf32>
    %broadcast_in_dim3A_113 = vector.shape_cast %reduce_max3A_112 : vector<128x6xf32> to vector<128x6x1xf32>
    %sub3A_114 = vector.broadcast %broadcast_in_dim3A_113 : vector<128x6x1xf32> to vector<128x6x32xf32>
    %sub3A_115 = arith.subf %div3A_110, %sub3A_114 : vector<128x6x32xf32>
    %exp3A_116 = math.exp %sub3A_115 : vector<128x6x32xf32>
    %reduce_sum3A_117 = arith.constant dense<0.000000e+00> : vector<128x6xf32>
    %reduce_sum3A_118 = vector.multi_reduction <add>, %exp3A_116, %reduce_sum3A_117 [2] : vector<128x6x32xf32> to vector<128x6xf32>
    %broadcast_in_dim3A_119 = vector.shape_cast %reduce_sum3A_118 : vector<128x6xf32> to vector<128x6x1xf32>
    %div3A_120 = vector.broadcast %broadcast_in_dim3A_119 : vector<128x6x1xf32> to vector<128x6x32xf32>
    %div3A_121 = arith.divf %exp3A_116, %div3A_120 : vector<128x6x32xf32>
    %broadcast_in_dim3A_122 = vector.shape_cast %div3A_55 : vector<128x6xf32> to vector<128x6x1xf32>
    %mul3A_123 = vector.broadcast %broadcast_in_dim3A_122 : vector<128x6x1xf32> to vector<128x6x32xf32>
    %mul3A_124 = arith.mulf %mul3A_123, %div3A_121 : vector<128x6x32xf32>
    %reduce_sum3A_125 = arith.constant dense<0.000000e+00> : vector<128x32xf32>
    %reduce_sum3A_126 = vector.multi_reduction <add>, %mul3A_124, %reduce_sum3A_125 [1] : vector<128x6x32xf32> to vector<128x32xf32>
    %broadcast_in_dim3A_127 = vector.shape_cast %reduce_sum3A_126 : vector<128x32xf32> to vector<128x1x32xf32>
    %mul3A_128 = vector.broadcast %broadcast_in_dim3A_127 : vector<128x1x32xf32> to vector<128x32x32xf32>
    %mul3A_129 = arith.mulf %convert_element_type3A_8, %mul3A_128 : vector<128x32x32xf32>
    %reshape3A_130 = vector.shape_cast %mul3A_129 : vector<128x32x32xf32> to vector<4096x32xf32>
    %dot_general3A_131 = arith.constant dense<0.000000e+00> : vector<4096x1xf32>
    %dot_general3A_132 = tpu.matmul %reshape3A_130, %broadcast_in_dim3A_13, %dot_general3A_131 {dimension_numbers = #tpu.dot_dimension_numbers<[1], [0], [0], [1], [0, 0, 1, 1], [], []>, transpose_lhs_hint = false} : vector<4096x32xf32>, vector<32x1xf32>, vector<4096x1xf32> -> vector<4096x1xf32>
    %reshape3A_133 = vector.shape_cast %dot_general3A_132 : vector<4096x1xf32> to vector<128x32xf32>
    %swap3A = arith.constant 0 : index
    %swap3A_134 = arith.constant 0 : index
    %swap3A_135 = vector.load %arg10[%swap3A, %swap3A_134] : memref<128x32xf32, #tpu.memory_space<vmem>>, vector<128x32xf32>
    tpu.vector_store %arg10[%swap3A, %swap3A_134], %reshape3A_133 {strides = array<i32>} : memref<128x32xf32, #tpu.memory_space<vmem>>, vector<128x32xf32>,
    return
  }
}

</mosaic_0001>

<sc_bundles>
// kernel: kernel.4.cloned.1.call-start
scs
__scs_entry_jumppad:
0x0: {  	(pc) =	sbr.rel $0x88, $3  }
0x1: {  	(tag) =	ssettag $0x0;
	lr =	simm.s32 $0x1  }
0x2: {  	[smem:$0x3F97] =	sst lr;
	_ =	strace $0xD0000000  }
0x3: {  	_ = 	snop  }
0x4: {  	_ = 	snop  }
0x5: {  	_ = 	snop  }
0x6: {  	_ = 	snop  }
0x7: {  	_ = 	snop  }
__scs_overlays_trampoline_lowered:
0x8: {  	[smem:$0x3FA6] =	sst s0  }
0x9: {  	[smem:$0x3FA7] =	sst s1  }
0xa: {  	[smem:$0x3FA8] =	sst s2  }
0xb: {  	[smem:$0x3FA9] =	sst s3  }
0xc: {  	[smem:$0x3FAA] =	sst s4  }
0xd: {  	[smem:$0x3FAB] =	sst s5  }
0xe: {  	[smem:$0x3FAC] =	sst s6  }
0xf: {  	[smem:$0x3FAD] =	sst s7  }
0x10: {  	[smem:$0x3FAE] =	sst s8  }
0x11: {  	[smem:$0x3FAF] =	sst s9;
	s0 =	simm.s32 @!p0 $0x0  }
0x12: {  	s1 =	sld [smem:$0x3F95];
	s0 =	simm.s32 @p0 $0x1  }
0x13: {  	[smem:$0x3FB0] =	sst s0;
	s0 =	simm.s32 @!p1 $0x0  }
0x14: {  	s2 =	sld [smem:$0x3F94];
	s0 =	simm.s32 @p1 $0x1  }
0x15: {  	[smem:$0x3FB1] =	sst s0;
	s0 =	simm.s32 @!p2 $0x0  }
0x16: {  	s3 =	sld [smem:$0x3FDB];
	s0 =	simm.s32 @p2 $0x1  }
0x17: {  	s4 =	simm.s32 $0x1BF5;
	[smem:$0x3FB3] =	sst s0  }
0x18: {  	s0 =	sld [smem:$0x3F96];
	_ =	swait.ge [sflag:s4], $0x0  }
0x19: {  	s7 =	sld [smem:$0x3F97]  }
0x1a: {  	s8 =	sadd.s32 $0xFFFFE003, lr  }
0x1b: {  	s9 =	sadd.s32 $0xFFFFFEF7, lr;
	s5 =	simm.s32 $0xFFFFFFFF;
	p2 =	slt.u32 s8, $0xFFFFF086  }
0x1c: {  	p1 =	slt.u32 s9, $0xF7A;
	s5 =	simm.s32 @!p2 $0x0  }
0x1d: {  	s5 =	simm.s32 @p1 $0x1;
	p0 =	seq.s32 s7, s2  }
0x1e: {  	s7 =	smul.u32 @!p0 $0xF7A, s2;
	p2 =	seq.s32 @!p0 s5, $0x0  }
0x1f: {  	s9 =	smul.u32 $0xF7A, s1;
	s8 =	simm.s32 @!p0 $0x1BF5;
	p2 =	por !p2, p0  }
0x20: {  	[sflag:s8] =	ssyncset.s32 @!p0 $0xFFFFF086;
	s6 =	sadd.s32 @!p0 s3, s7;
	s7 =	simm.s32 @!p0 $0x108  }
0x21: {  	s3 =	sadd.s32 s3, s9;
	s6 =	sadd.s32 @!p0 $0x88, s6;
	s7 =	simm.s32 @p2 $0x1082  }
0x22: {  	[simem:s7], [sflag:s8] =	dma.local @!p0 [hbm:s6], $0xF7A  }
0x23: {  	s9 =	sor.u32 $0xD0000000, s2;
	s6 =	simm.s32 $0x108;
	_ =	swait.ge @!p0 [sflag:s8], $0x0  }
0x24: {  	s3 =	sadd.s32 $0x88, s3;
	s6 =	simm.s32 @!p1 $0x1082;
	[sflag:s4] =	ssyncset.s32 $0xFFFFF086  }
0x25: {  	[simem:s6], [sflag:s4] =	dma.local [hbm:s3], $0xF7A  }
0x26: {  	[smem:$0x3F97] =	sst s1;
	(tag) =	ssettag s2;
	_ =	strace s9  }
0x27: {  	s1 =	sld [smem:$0x3FA7]  }
0x28: {  	s2 =	sld [smem:$0x3FA8]  }
0x29: {  	s4 =	sld [smem:$0x3FAA]  }
0x2a: {  	p0 =	seq.s32 s5, $0x0;
	s5 =	sld [smem:$0x3FAB]  }
0x2b: {  	s6 =	sld [smem:$0x3FAC]  }
0x2c: {  	s7 =	sld [smem:$0x3FAD]  }
0x2d: {  	s3 =	simm.s32 $0x108;
	s8 =	sld [smem:$0x3FAE]  }
0x2e: {  	s3 =	simm.s32 @!p0 $0x1082;
	s9 =	sld [smem:$0x3FAF]  }
0x2f: {  	lr =	sadd.s32 s0, s3;
	s0 =	sld [smem:$0x3FA6]  }
0x30: {  	s3 =	sld [smem:$0x3FA9]  }
0x31: {  	[smem:$0x3FB2] =	sst s10  }
0x32: {  	s10 =	sld [smem:$0x3FB0];
	_ =	sdelay $0x3  }
0x33: {  	p0 =	seq.s32 s10, $0x1;
	s10 =	sld [smem:$0x3FB2];
	_ =	sdelay $0x3  }
0x34: {  	[smem:$0x3FB2] =	sst s10  }
0x35: {  	s10 =	sld [smem:$0x3FB1];
	_ =	sdelay $0x3  }
0x36: {  	p1 =	seq.s32 s10, $0x1;
	s10 =	sld [smem:$0x3FB2];
	_ =	sdelay $0x3  }
0x37: {  	[smem:$0x3FB2] =	sst s10  }
0x38: {  	s10 =	sld [smem:$0x3FB3]  }
0x39: {  	_ = 	snop;
	(pc) =	sbr.ind lr, $3  }
0x3a: {  	_ = 	snop  }
0x3b: {  	_ = 	snop  }
0x3c: {  	p2 =	seq.s32 s10, $0x1;
	s10 =	sld [smem:$0x3FB2]  }
0x3d: {  	_ =	shalt  }
0x3e: {  	_ =	shalt  }
0x3f: {  	_ =	shalt  }
0x40: {  	_ =	shalt  }
0x41: {  	_ =	shalt  }
0x42: {  	_ =	shalt  }
0x43: {  	_ =	shalt  }
0x44: {  	_ =	shalt  }
0x45: {  	_ =	shalt  }
0x46: {  	_ =	shalt  }
0x47: {  	_ =	shalt  }
0x48: {  	_ =	shalt  }
0x49: {  	_ =	shalt  }
0x4a: {  	_ =	shalt  }
0x4b: {  	_ =	shalt  }
0x4c: {  	_ =	shalt  }
0x4d: {  	_ =	shalt  }
0x4e: {  	_ =	shalt  }
0x4f: {  	_ =	shalt  }
0x50: {  	_ =	shalt  }
0x51: {  	_ =	shalt  }
0x52: {  	_ =	shalt  }
0x53: {  	_ =	shalt  }
0x54: {  	_ =	shalt  }
0x55: {  	_ =	shalt  }
0x56: {  	_ =	shalt  }
0x57: {  	_ =	shalt  }
0x58: {  	_ =	shalt  }
0x59: {  	_ =	shalt  }
0x5a: {  	_ =	shalt  }
0x5b: {  	_ =	shalt  }
0x5c: {  	_ =	shalt  }
0x5d: {  	_ =	shalt  }
0x5e: {  	_ =	shalt  }
0x5f: {  	_ =	shalt  }
0x60: {  	_ =	shalt  }
0x61: {  	_ =	shalt  }
0x62: {  	_ =	shalt  }
0x63: {  	_ =	shalt  }
0x64: {  	_ =	shalt  }
0x65: {  	_ =	shalt  }
0x66: {  	_ =	shalt  }
0x67: {  	_ =	shalt  }
0x68: {  	_ =	shalt  }
0x69: {  	_ =	shalt  }
0x6a: {  	_ =	shalt  }
0x6b: {  	_ =	shalt  }
0x6c: {  	_ =	shalt  }
0x6d: {  	_ =	shalt  }
0x6e: {  	_ =	shalt  }
0x6f: {  	_ =	shalt  }
0x70: {  	_ =	shalt  }
0x71: {  	_ =	shalt  }
0x72: {  	_ =	shalt  }
0x73: {  	_ =	shalt  }
0x74: {  	_ =	shalt  }
0x75: {  	_ =	shalt  }
0x76: {  	_ =	shalt  }
0x77: {  	_ =	shalt  }
0x78: {  	_ =	shalt  }
0x79: {  	_ =	shalt  }
0x7a: {  	_ =	shalt  }
0x7b: {  	_ =	shalt  }
0x7c: {  	_ =	shalt  }
0x7d: {  	_ =	shalt  }
0x7e: {  	_ =	shalt  }
0x7f: {  	_ =	shalt  }
0x80: {  	_ =	shalt  }
0x81: {  	_ =	shalt  }
0x82: {  	_ =	shalt  }
0x83: {  	_ =	shalt  }
0x84: {  	_ =	shalt  }
0x85: {  	_ =	shalt  }
0x86: {  	_ =	shalt  }
0x87: {  	_ =	shalt  }
.Lfunc_end0:
.L_simem_size_0:
called_computation_lowered:
.L_overlay_start_0:
0x88: {  	s2 =	sld [smem:$0x3FD9]  }
0x89: {  	s3 =	sld [smem:$0x3FFE];
	_ =	sdelay $0x1  }
0x8a: {  	s1 =	srdreg.scid  }
0x8b: {  	s0 =	sand.u32 $0x1, s1  }
0x8c: {  	s17 =	sshll.u32 s0, $0xA;
	s2 =	sadd.s32 s3, s2  }
0x8d: {  	s2 =	sadd.s32 s2, s17  }
0x8e: {  	[smem:$0x3FBE] =	sst s2  }
0x8f: {  	_ = 	snop  }
0x90: {  	s2 =	sld [smem:$0x3FC9]  }
0x91: {  	s18 =	sld [smem:$0x3FD0];
	(tm) =	ssettm $0x1  }
0x92: {  	s4 =	sld [smem:$0x3FFB];
	_ =	sdelay $0x3  }
0x93: {  	_ =	strace s4  }
0x94: {  	s4 =	sld [smem:$0x3FFC];
	_ =	sdelay $0x3  }
0x95: {  	_ =	strace s4  }
0x96: {  	s4 =	sld [smem:$0x3FFD];
	_ =	sdelay $0x3  }
0x97: {  	_ =	strace s4  }
0x98: {  	_ =	strace $0x8FFFFFFF  }
0x99: {  	s19 =	sld [smem:$0x3FDB];
	_ =	sdelay $0x1  }
0x9a: {  	s5 =	simm.s32 $_scs_section_size  }
0x9b: {  	s6 =	simm.s32 $_size__tile_overlayer_lowered;
	s7 =	simm.s32 $_tile_overlayer_lowered  }
0x9c: {  	s22 =	simm.s32 $0x1BFF;
	s21 =	sshll.u32 s7, $0x1;
	s4 =	sadd.s32 s5, s19  }
0x9d: {  	s8 =	simm.s32 $0x0;
	s20 =	sshll.u32 s6, $0x1;
	s6 =	sadd.s32 s21, s4  }
0x9e: {  	[timem:s8], [sflag:s22] =	dma.local [hbm:s6], s20  }
0x9f: {  	_ =	swait.ge [sflag:s22], s20  }
0xa0: {  	s5 =	ssub.s32 $0x0, s20;
	[sflag:s22] =	ssyncset.done $0x0  }
0xa1: {  	[sflag:s22] =	ssyncadd.s32 s5;
	_ =	sdelay $0x1  }
0xa2: {  	s23 =	simm.s32 $0x1B8B  }
0xa3: {  	_ =	swait.ge [sflag:s23], $0x1  }
0xa4: {  	[sflag:s23] =	ssyncset.done $0x0  }
0xa5: {  	s25 =	simm.s32 $0x1B8E;
	s24 =	sld [smem:$0x3FFE];
	[sflag:s23] =	ssyncadd.s32 $0xFFFFFFFF  }
0xa6: {  	s26 =	simm.s32 $execute0_lowered;
	[smem:$0x3FD2] =	sst s25  }
0xa7: {  	s6 =	sshll.u32 s26, $0x1;
	_ =	strace $0x80000046;
	[dreg:$0x1] =	wrdreg $0xFFFFFFFF  }
0xa8: {  	s28 =	simm.s32 $_size_execute0_lowered;
	s4 =	sadd.s32 s4, s6;
	[dreg:$0x0] =	wrdreg $0x0  }
0xa9: {  	s6 =	sshll.u32 s28, $0x1;
	[dreg:$0x2] =	wrdreg s4  }
0xaa: {  	[dreg:$0x3] =	wrdreg s6  }
0xab: {  	[dreg:$0x4] =	wrdreg $0xC0  }
0xac: {  	_ =	task [dreg:s8], $0x5FFFF  }
0xad: {  	[dreg:$0x1] =	wrdreg $0xFFFFFFFF  }
0xae: {  	[dreg:$0x0] =	wrdreg $0x60  }
0xaf: {  	[dreg:$0x2] =	wrdreg s2  }
0xb0: {  	[dreg:$0x3] =	wrdreg s24  }
0xb1: {  	[dreg:$0x4] =	wrdreg s18  }
0xb2: {  	[dreg:$0x5] =	wrdreg $0x9  }
0xb3: {  	_ =	task.clear_ibuf [dreg:s8], $0x6FFFF;
	_ =	strace $0x90000046  }
0xb4: {  	s29 =	simm.s32 $0x9;
	_ =	strace $0x80000048  }
0xb5: {  	_ =	swait.ge [sflag:s29], $0x1  }
0xb6: {  	[sflag:s29] =	ssyncadd.s32 $0xFFFFFFFF  }
0xb7: {  	_ =	strace $0x90000048  }
0xb8: {  	_ =	sfence  }
0xb9: {  	s30 =	sld [smem:$0x0];
	_ =	sdelay $0x2  }
0xba: {  	s31 =	sshll.u32 s1, $0xD;
	s1 =	sshrl.u32 s1, $0x2  }
0xbb: {  	s3 =	sand.u32 $0x4000, s31;
	s1 =	sadd.s32 s1, s30  }
0xbc: {  	s0 =	sor.u32 s3, s0;
	s1 =	sshll.u32 s1, $0x11  }
0xbd: {  	s0 =	sor.u32 s1, s0  }
0xbe: {  	s0 =	sadd.s32 $0x8F2B, s0  }
0xbf: {  	[sflag:s0] =	ssyncadd.remote.s32 $0x1  }
0xc0: {  	_ =	sfence.sel $0xFFFF  }
0xc1: {  	[dreg:$0x0] =	wrdreg $0xFFFFFFFF;
	(pc) =	sbr.abs _section_cstart, $3  }
0xc2: {  	[dreg:$0x1] =	wrdreg $0xFFFFFFFF  }
0xc3: {  	_ =	task.clear_ibuf [dreg:s8], $0x2FFFF;
	_ =	strace $0x9FFFFFFF  }
0xc4: {  	(tm) =	ssettm $0x7FFFFFFF  }
0xc5: {  	_ =	shalt  }
tec
execute0_lowered:
.L_overlay_start_1:
0x0: {  	(tag) =	ssettag $0x1  }
0x1: {  	s15 =	rddreg [dreg:$0x0]  }
0x2: {  	s3 =	rddreg [dreg:$0x1]  }
0x3: {  	s5 =	rddreg [dreg:$0x2]  }
0x4: {  	s0 =	rddreg [dreg:$0x3]  }
0x5: {  	s2 =	simm.s32 $0x0;
	s4 =	srdreg.scid;
	s1 =	stileid.u32  }
0x6: {  	s20 =	simm.s32 $0x18700;
	s21 =	simm.s32 $0x2;
	s22 =	simm.s32 $0x18780  }
0x7: {  	s23 =	simm.s32 $0xC300;
	s24 =	simm.s32 $0x80;
	s25 =	simm.s32 $0x200  }
0x8: {  	s26 =	simm.s32 $0x1;
	s28 =	simm.s32 $0x0;
	[smem:$0x7FF] =	sst s2  }
0x9: {  	s4 =	sand.u32 $0x1, s4;
	s6 =	sshll.u32 s1, $0x1;
	s8 =	sshll.u32 s1, $0x7  }
0xa: {  	s16 =	sadd.s32 $0x1800, s3;
	_ =	strace $0x80000047;
	s7 =	ssub.s32 $0x2, s4  }
0xb: {  	s6 =	sor.u32 s4, s6;
	s4 =	sshll.u32 s4, $0x6;
	s31 =	sshrl.u32 s7, $0x1  }
0xc: {  	s6 =	smul.u32 $0x61C00, s6;
	s13 =	sor.u32 s4, s8;
	s19 =	ssub.s32 s7, s31  }
0xd: {  	s3 =	sadd.s32 s15, s13;
	s4 =	sadd.s32 s16, s13;
	s8 =	sor.u32 $0x10, s13  }
0xe: {  	s12 =	sor.u32 $0x20, s13;
	s17 =	sor.u32 $0x30, s13;
	s6 =	sshrl.u32 s6, $0x3  }
0xf: {  	s7 =	sadd.s32 s15, s8;
	s8 =	sadd.s32 s16, s8;
	s11 =	sadd.s32 s15, s12  }
0x10: {  	s12 =	sadd.s32 s16, s12;
	s15 =	sadd.s32 s15, s17;
	s5 =	sadd.s32 s5, s6  }
0x11: {  	s16 =	sadd.s32 s16, s17;
	s19 =	smax.u32 s19, $0x1;
	s6 =	sadd.s32 $0x6180, s5  }
0x12: {  	s9 =	sadd.s32 $0x10, s5;
	s10 =	sadd.s32 $0x6190, s5;
	s13 =	sadd.s32 $0x20, s5  }
0x13: {  	v0 =	vimm.f32 $0.0e+00;
	s14 =	sadd.s32 $0x61A0, s5;
	s17 =	sadd.s32 $0x30, s5;
	s18 =	sadd.s32 $0x61B0, s5  }
.LBB2_1:
0x14: {  	s29 =	simm.s32 $0x50  }
0x15: {  	[tilespmem:s29+$0xFFFFFFC0] =	vst v0  }
0x16: {  	[tilespmem:s29+$0xFFFFFFD0] =	vst v0  }
0x17: {  	[tilespmem:s29+$0xFFFFFFE0] =	vst v0  }
0x18: {  	[tilespmem:s29+$0xFFFFFFF0] =	vst v0  }
0x19: {  	[tilespmem:s29+$0x0] =	vst v0  }
0x1a: {  	[tilespmem:s29+$0x10] =	vst v0  }
0x1b: {  	[tilespmem:s29+$0x20] =	vst v0  }
0x1c: {  	s31 =	sand.u32 $0x1FFE0, s2;
	s30 =	simm.s32 $0xA0;
	[tilespmem:s29+$0xFFFFFFB0] =	vst v0  }
.LBB2_2:
0x1d: {  	p0 =	sne.s32 s30, $0xC260;
	[tilespmem:s31+$0x80] =	vst v0  }
0x1e: {  	[tilespmem:s29+$0x40] =	vst v0;
	s29 =	sadd.s32 $0xA0, s29  }
0x1f: {  	[tilespmem:s29+$0xFFFFFFC0] =	vst v0  }
0x20: {  	[tilespmem:s29+$0xFFFFFFD0] =	vst v0  }
0x21: {  	[tilespmem:s29+$0xFFFFFFE0] =	vst v0  }
.Ltmp0:
0x22: {  	[tilespmem:s29+$0xFFFFFFF0] =	vst v0;
	(pc) =	sbr.rel @p0 .LBB2_2-.Ltmp0, $4  }
0x23: {  	[tilespmem:s29+$0x0] =	vst v0  }
0x24: {  	[tilespmem:s29+$0x10] =	vst v0  }
0x25: {  	[tilespmem:s29+$0x20] =	vst v0  }
0x26: {  	s31 =	sand.u32 $0x1FFE0, s30;
	s30 =	sadd.s32 $0xA0, s30;
	[tilespmem:s29+$0xFFFFFFB0] =	vst v0  }
0x27: {  	[tilespmem:s31+$0x80] =	vst v0  }
0x28: {  	[tilespmem:s29+$0x40] =	vst v0;
	s29 =	simm.s32 $0xC350  }
0x29: {  	[tilespmem:s29+$0xFFFFFFC0] =	vst v0  }
0x2a: {  	[tilespmem:s29+$0xFFFFFFD0] =	vst v0  }
0x2b: {  	[tilespmem:s29+$0xFFFFFFE0] =	vst v0  }
0x2c: {  	[tilespmem:s29+$0xFFFFFFF0] =	vst v0  }
0x2d: {  	[tilespmem:s29+$0x0] =	vst v0  }
0x2e: {  	[tilespmem:s29+$0x10] =	vst v0  }
0x2f: {  	s30 =	simm.s32 $0x0;
	[tilespmem:s29+$0x20] =	vst v0  }
0x30: {  	s31 =	sand.u32 $0x1FFE0, s30;
	s30 =	simm.s32 $0xA0;
	[tilespmem:s29+$0xFFFFFFB0] =	vst v0  }
.LBB2_4:
0x31: {  	p0 =	sne.s32 s30, $0xC300;
	[tilespmem:s31+$0xC380] =	vst v0  }
0x32: {  	[tilespmem:s29+$0x40] =	vst v0;
	s29 =	sadd.s32 $0xA0, s29  }
0x33: {  	[tilespmem:s29+$0xFFFFFFC0] =	vst v0  }
0x34: {  	[tilespmem:s29+$0xFFFFFFD0] =	vst v0  }
0x35: {  	[tilespmem:s29+$0xFFFFFFE0] =	vst v0  }
.Ltmp1:
0x36: {  	[tilespmem:s29+$0xFFFFFFF0] =	vst v0;
	(pc) =	sbr.rel @p0 .LBB2_4-.Ltmp1, $4  }
0x37: {  	[tilespmem:s29+$0x0] =	vst v0  }
0x38: {  	[tilespmem:s29+$0x10] =	vst v0  }
0x39: {  	[tilespmem:s29+$0x20] =	vst v0  }
0x3a: {  	s31 =	sand.u32 $0x1FFE0, s30;
	s30 =	sadd.s32 $0xA0, s30;
	[tilespmem:s29+$0xFFFFFFB0] =	vst v0  }
0x3b: {  	[tilespmem:s31+$0xC380] =	vst v0  }
0x3c: {  	[tilespmem:s29+$0x40] =	vst v0  }
0x3d: {  	[tilespmem:s20], [sflag:$0x2] =	stream.linear.gather [hbm4b:s3+s2], $0x80, $0x38;
	[tilespmem:$0x18800] =	vst v63  }
0x3e: {  	_ =	swait.ge [sflag:s21], $0x80  }
0x3f: {  	[sflag:s21] =	ssyncset.done $0x0  }
0x40: {  	[sflag:s21] =	ssyncadd.s32 $0xFFFFFF80  }
0x41: {  	[tilespmem:s22], [sflag:$0x2] =	stream.linear.gather [hbm4b:s4+s2], $0x80, $0x38;
	[tilespmem:$0x18800] =	vst v63  }
0x42: {  	_ =	swait.ge [sflag:s21], $0x80  }
0x43: {  	[sflag:s21] =	ssyncset.done $0x0  }
0x44: {  	[sflag:s21] =	ssyncadd.s32 $0xFFFFFF80  }
0x45: {  	v1 =	vld [tilespmem:$0x18700];
	_ =	sdelay $0x4  }
0x46: {  	vm0 =	vge.s32 v1, $0xC300;
	vm1 =	vlt.s32 v1, $0xC300  }
0x47: {  	v2 =	vld [tilespmem:$0x18780];
	v3 =	vnsel vm1, $0x0, v1;
	v1 =	vnsel vm0, $0xC300, v1  }
0x48: {  	v1 =	vadd.s32 $0xFFFF3D00, v1;
	_ =	sdelay $0x3  }
0x49: {  	[tilespmem:v3+s2+$0x0] =	vst.idx.msk vm1, v2  }
0x4a: {  	[tilespmem:v1+s23+$0x0] =	vst.idx.msk vm0, v2  }
0x4b: {  	v1 =	vld [tilespmem:$0x18710];
	_ =	sdelay $0x4  }
0x4c: {  	vm14 =	vge.s32 v1, $0xC300;
	vm15 =	vlt.s32 v1, $0xC300  }
0x4d: {  	v2 =	vld [tilespmem:$0x18790];
	v3 =	vnsel vm15, $0x0, v1;
	v1 =	vnsel vm14, $0xC300, v1  }
0x4e: {  	v1 =	vadd.s32 $0xFFFF3D00, v1;
	_ =	sdelay $0x3  }
0x4f: {  	[tilespmem:v3+s2+$0x0] =	vst.idx.msk vm15, v2  }
0x50: {  	[tilespmem:v1+s23+$0x0] =	vst.idx.msk vm14, v2  }
0x51: {  	[hbm4b:s5+s24] =	stream.strided.scatter [tilespmem:s2], [sflag:$0x1], $0xC300, s25, s24, $0x38;
	[tilespmem:$0x18800] =	vst v63  }
0x52: {  	_ = 	snop  }
0x53: {  	[hbm4b:s6+s24] =	stream.strided.scatter [tilespmem:s23], [sflag:$0x1], $0xC400, s25, s24, $0x38;
	[tilespmem:$0x18800] =	vst v63  }
0x54: {  	_ =	swait.ge [sflag:s26], $0xC300  }
0x55: {  	[sflag:s26] =	ssyncset.done $0x0  }
0x56: {  	[sflag:s26] =	ssyncadd.s32 $0xFFFF3D00  }
0x57: {  	_ =	swait.ge [sflag:s26], $0xC400  }
0x58: {  	[sflag:s26] =	ssyncset.done $0x0  }
0x59: {  	[sflag:s26] =	ssyncadd.s32 $0xFFFF3C00  }
0x5a: {  	v1 =	vld [tilespmem:$0x18700];
	_ =	sdelay $0x4  }
0x5b: {  	vm4 =	vge.s32 v1, $0xC300;
	vm5 =	vlt.s32 v1, $0xC300  }
0x5c: {  	v2 =	vnsel vm5, $0x0, v1;
	v1 =	vnsel vm4, $0xC300, v1  }
0x5d: {  	v1 =	vadd.s32 $0xFFFF3D00, v1;
	_ =	sdelay $0x3  }
0x5e: {  	[tilespmem:v2+s2+$0x0] =	vst.idx.msk vm5, v0  }
0x5f: {  	[tilespmem:v1+s23+$0x0] =	vst.idx.msk vm4, v0  }
0x60: {  	v1 =	vld [tilespmem:$0x18710];
	_ =	sdelay $0x4  }
0x61: {  	vm6 =	vge.s32 v1, $0xC300;
	vm7 =	vlt.s32 v1, $0xC300  }
0x62: {  	v2 =	vnsel vm7, $0x0, v1;
	v1 =	vnsel vm6, $0xC300, v1  }
0x63: {  	v1 =	vadd.s32 $0xFFFF3D00, v1;
	_ =	sdelay $0x3  }
0x64: {  	[tilespmem:v2+s2+$0x0] =	vst.idx.msk vm7, v0  }
0x65: {  	[tilespmem:v1+s23+$0x0] =	vst.idx.msk vm6, v0  }
0x66: {  	[tilespmem:s20], [sflag:$0x2] =	stream.linear.gather [hbm4b:s7+s2], $0x80, $0x38;
	[tilespmem:$0x18800] =	vst v63  }
0x67: {  	_ =	swait.ge [sflag:s21], $0x80  }
0x68: {  	[sflag:s21] =	ssyncset.done $0x0  }
0x69: {  	[sflag:s21] =	ssyncadd.s32 $0xFFFFFF80  }
0x6a: {  	[tilespmem:s22], [sflag:$0x2] =	stream.linear.gather [hbm4b:s8+s2], $0x80, $0x38;
	[tilespmem:$0x18800] =	vst v63  }
0x6b: {  	_ =	swait.ge [sflag:s21], $0x80  }
0x6c: {  	[sflag:s21] =	ssyncset.done $0x0  }
0x6d: {  	[sflag:s21] =	ssyncadd.s32 $0xFFFFFF80  }
0x6e: {  	v1 =	vld [tilespmem:$0x18700];
	_ =	sdelay $0x4  }
0x6f: {  	vm8 =	vge.s32 v1, $0xC300;
	vm9 =	vlt.s32 v1, $0xC300  }
0x70: {  	v2 =	vld [tilespmem:$0x18780];
	v3 =	vnsel vm9, $0x0, v1;
	v1 =	vnsel vm8, $0xC300, v1  }
0x71: {  	v1 =	vadd.s32 $0xFFFF3D00, v1;
	_ =	sdelay $0x3  }
0x72: {  	[tilespmem:v3+s2+$0x0] =	vst.idx.msk vm9, v2  }
0x73: {  	[tilespmem:v1+s23+$0x0] =	vst.idx.msk vm8, v2  }
0x74: {  	v1 =	vld [tilespmem:$0x18710];
	_ =	sdelay $0x4  }
0x75: {  	vm10 =	vge.s32 v1, $0xC300;
	vm11 =	vlt.s32 v1, $0xC300  }
0x76: {  	v2 =	vld [tilespmem:$0x18790];
	v3 =	vnsel vm11, $0x0, v1;
	v1 =	vnsel vm10, $0xC300, v1  }
0x77: {  	v1 =	vadd.s32 $0xFFFF3D00, v1;
	_ =	sdelay $0x3  }
0x78: {  	[tilespmem:v3+s2+$0x0] =	vst.idx.msk vm11, v2  }
0x79: {  	[tilespmem:v1+s23+$0x0] =	vst.idx.msk vm10, v2  }
0x7a: {  	[hbm4b:s9+s24] =	stream.strided.scatter [tilespmem:s2], [sflag:$0x1], $0xC300, s25, s24, $0x38;
	[tilespmem:$0x18800] =	vst v63  }
0x7b: {  	_ = 	snop  }
0x7c: {  	[hbm4b:s10+s24] =	stream.strided.scatter [tilespmem:s23], [sflag:$0x1], $0xC400, s25, s24, $0x38;
	[tilespmem:$0x18800] =	vst v63  }
0x7d: {  	_ =	swait.ge [sflag:s26], $0xC300  }
0x7e: {  	[sflag:s26] =	ssyncset.done $0x0  }
0x7f: {  	[sflag:s26] =	ssyncadd.s32 $0xFFFF3D00  }
0x80: {  	_ =	swait.ge [sflag:s26], $0xC400  }
0x81: {  	[sflag:s26] =	ssyncset.done $0x0  }
0x82: {  	[sflag:s26] =	ssyncadd.s32 $0xFFFF3C00  }
0x83: {  	v1 =	vld [tilespmem:$0x18700];
	_ =	sdelay $0x4  }
0x84: {  	vm12 =	vge.s32 v1, $0xC300;
	vm13 =	vlt.s32 v1, $0xC300  }
0x85: {  	v2 =	vnsel vm13, $0x0, v1;
	v1 =	vnsel vm12, $0xC300, v1  }
0x86: {  	v1 =	vadd.s32 $0xFFFF3D00, v1;
	_ =	sdelay $0x3  }
0x87: {  	[tilespmem:v2+s2+$0x0] =	vst.idx.msk vm13, v0  }
0x88: {  	[tilespmem:v1+s23+$0x0] =	vst.idx.msk vm12, v0  }
0x89: {  	v1 =	vld [tilespmem:$0x18710];
	_ =	sdelay $0x4  }
0x8a: {  	vm14 =	vge.s32 v1, $0xC300;
	vm15 =	vlt.s32 v1, $0xC300  }
0x8b: {  	v2 =	vnsel vm15, $0x0, v1;
	v1 =	vnsel vm14, $0xC300, v1  }
0x8c: {  	v1 =	vadd.s32 $0xFFFF3D00, v1;
	_ =	sdelay $0x3  }
0x8d: {  	[tilespmem:v2+s2+$0x0] =	vst.idx.msk vm15, v0  }
0x8e: {  	[tilespmem:v1+s23+$0x0] =	vst.idx.msk vm14, v0  }
0x8f: {  	[tilespmem:s20], [sflag:$0x2] =	stream.linear.gather [hbm4b:s11+s2], $0x80, $0x38;
	[tilespmem:$0x18800] =	vst v63  }
0x90: {  	_ =	swait.ge [sflag:s21], $0x80  }
0x91: {  	[sflag:s21] =	ssyncset.done $0x0  }
0x92: {  	[sflag:s21] =	ssyncadd.s32 $0xFFFFFF80  }
0x93: {  	[tilespmem:s22], [sflag:$0x2] =	stream.linear.gather [hbm4b:s12+s2], $0x80, $0x38;
	[tilespmem:$0x18800] =	vst v63  }
0x94: {  	_ =	swait.ge [sflag:s21], $0x80  }
0x95: {  	[sflag:s21] =	ssyncset.done $0x0  }
0x96: {  	[sflag:s21] =	ssyncadd.s32 $0xFFFFFF80  }
0x97: {  	v1 =	vld [tilespmem:$0x18700];
	_ =	sdelay $0x4  }
0x98: {  	vm4 =	vge.s32 v1, $0xC300;
	vm5 =	vlt.s32 v1, $0xC300  }
0x99: {  	v2 =	vld [tilespmem:$0x18780];
	v3 =	vnsel vm5, $0x0, v1;
	v1 =	vnsel vm4, $0xC300, v1  }
0x9a: {  	v1 =	vadd.s32 $0xFFFF3D00, v1;
	_ =	sdelay $0x3  }
0x9b: {  	[tilespmem:v3+s2+$0x0] =	vst.idx.msk vm5, v2  }
0x9c: {  	[tilespmem:v1+s23+$0x0] =	vst.idx.msk vm4, v2  }
0x9d: {  	v1 =	vld [tilespmem:$0x18710];
	_ =	sdelay $0x4  }
0x9e: {  	vm6 =	vge.s32 v1, $0xC300;
	vm7 =	vlt.s32 v1, $0xC300  }
0x9f: {  	v2 =	vld [tilespmem:$0x18790];
	v3 =	vnsel vm7, $0x0, v1;
	v1 =	vnsel vm6, $0xC300, v1  }
0xa0: {  	v1 =	vadd.s32 $0xFFFF3D00, v1;
	_ =	sdelay $0x3  }
0xa1: {  	[tilespmem:v3+s2+$0x0] =	vst.idx.msk vm7, v2  }
0xa2: {  	[tilespmem:v1+s23+$0x0] =	vst.idx.msk vm6, v2  }
0xa3: {  	[hbm4b:s13+s24] =	stream.strided.scatter [tilespmem:s2], [sflag:$0x1], $0xC300, s25, s24, $0x38;
	[tilespmem:$0x18800] =	vst v63  }
0xa4: {  	_ = 	snop  }
0xa5: {  	[hbm4b:s14+s24] =	stream.strided.scatter [tilespmem:s23], [sflag:$0x1], $0xC400, s25, s24, $0x38;
	[tilespmem:$0x18800] =	vst v63  }
0xa6: {  	_ =	swait.ge [sflag:s26], $0xC300  }
0xa7: {  	[sflag:s26] =	ssyncset.done $0x0  }
0xa8: {  	[sflag:s26] =	ssyncadd.s32 $0xFFFF3D00  }
0xa9: {  	_ =	swait.ge [sflag:s26], $0xC400  }
0xaa: {  	[sflag:s26] =	ssyncset.done $0x0  }
0xab: {  	[sflag:s26] =	ssyncadd.s32 $0xFFFF3C00  }
0xac: {  	v1 =	vld [tilespmem:$0x18700];
	_ =	sdelay $0x4  }
0xad: {  	vm8 =	vge.s32 v1, $0xC300;
	vm9 =	vlt.s32 v1, $0xC300  }
0xae: {  	v2 =	vnsel vm9, $0x0, v1;
	v1 =	vnsel vm8, $0xC300, v1  }
0xaf: {  	v1 =	vadd.s32 $0xFFFF3D00, v1;
	_ =	sdelay $0x3  }
0xb0: {  	[tilespmem:v2+s2+$0x0] =	vst.idx.msk vm9, v0  }
0xb1: {  	[tilespmem:v1+s23+$0x0] =	vst.idx.msk vm8, v0  }
0xb2: {  	v1 =	vld [tilespmem:$0x18710];
	_ =	sdelay $0x4  }
0xb3: {  	vm10 =	vge.s32 v1, $0xC300;
	vm11 =	vlt.s32 v1, $0xC300  }
0xb4: {  	v2 =	vnsel vm11, $0x0, v1;
	v1 =	vnsel vm10, $0xC300, v1  }
0xb5: {  	v1 =	vadd.s32 $0xFFFF3D00, v1;
	_ =	sdelay $0x3  }
0xb6: {  	[tilespmem:v2+s2+$0x0] =	vst.idx.msk vm11, v0  }
0xb7: {  	[tilespmem:v1+s23+$0x0] =	vst.idx.msk vm10, v0  }
0xb8: {  	[tilespmem:s20], [sflag:$0x2] =	stream.linear.gather [hbm4b:s15+s2], $0x80, $0x38;
	[tilespmem:$0x18800] =	vst v63  }
0xb9: {  	_ =	swait.ge [sflag:s21], $0x80  }
0xba: {  	[sflag:s21] =	ssyncset.done $0x0  }
0xbb: {  	[sflag:s21] =	ssyncadd.s32 $0xFFFFFF80  }
0xbc: {  	[tilespmem:s22], [sflag:$0x2] =	stream.linear.gather [hbm4b:s16+s2], $0x80, $0x38;
	[tilespmem:$0x18800] =	vst v63  }
0xbd: {  	_ =	swait.ge [sflag:s21], $0x80  }
0xbe: {  	[sflag:s21] =	ssyncset.done $0x0  }
0xbf: {  	[sflag:s21] =	ssyncadd.s32 $0xFFFFFF80  }
0xc0: {  	v1 =	vld [tilespmem:$0x18700];
	_ =	sdelay $0x4  }
0xc1: {  	vm12 =	vge.s32 v1, $0xC300;
	vm13 =	vlt.s32 v1, $0xC300  }
0xc2: {  	v2 =	vld [tilespmem:$0x18780];
	v3 =	vnsel vm13, $0x0, v1;
	v1 =	vnsel vm12, $0xC300, v1  }
0xc3: {  	v1 =	vadd.s32 $0xFFFF3D00, v1;
	_ =	sdelay $0x3  }
0xc4: {  	[tilespmem:v3+s2+$0x0] =	vst.idx.msk vm13, v2  }
0xc5: {  	[tilespmem:v1+s23+$0x0] =	vst.idx.msk vm12, v2  }
0xc6: {  	v1 =	vld [tilespmem:$0x18710];
	_ =	sdelay $0x4  }
0xc7: {  	vm14 =	vge.s32 v1, $0xC300;
	vm15 =	vlt.s32 v1, $0xC300  }
0xc8: {  	v2 =	vld [tilespmem:$0x18790];
	v3 =	vnsel vm15, $0x0, v1;
	v1 =	vnsel vm14, $0xC300, v1  }
0xc9: {  	v1 =	vadd.s32 $0xFFFF3D00, v1;
	_ =	sdelay $0x3  }
0xca: {  	[tilespmem:v3+s2+$0x0] =	vst.idx.msk vm15, v2  }
0xcb: {  	[tilespmem:v1+s23+$0x0] =	vst.idx.msk vm14, v2  }
0xcc: {  	[hbm4b:s17+s24] =	stream.strided.scatter [tilespmem:s2], [sflag:$0x1], $0xC300, s25, s24, $0x38;
	[tilespmem:$0x18800] =	vst v63  }
0xcd: {  	s28 =	sadd.s32 $0x1, s28  }
0xce: {  	[hbm4b:s18+s24] =	stream.strided.scatter [tilespmem:s23], [sflag:$0x1], $0xC400, s25, s24, $0x38;
	[tilespmem:$0x18800] =	vst v63  }
0xcf: {  	p0 =	sne.s32 s28, s19;
	_ =	swait.ge [sflag:s26], $0xC300  }
.Ltmp2:
0xd0: {  	[sflag:s26] =	ssyncset.done $0x0;
	(pc) =	sbr.rel @p0 .LBB2_1-.Ltmp2, $4  }
0xd1: {  	[sflag:s26] =	ssyncadd.s32 $0xFFFF3D00  }
0xd2: {  	_ =	swait.ge [sflag:s26], $0xC400  }
0xd3: {  	[sflag:s26] =	ssyncset.done $0x0  }
0xd4: {  	[sflag:s26] =	ssyncadd.s32 $0xFFFF3C00  }
0xd5: {  	_ =	sfence.sel $0x180000  }
0xd6: {  	[bflag:$0x0] =	sbarrier.arrive $0xFFFF  }
0xd7: {  	p0 =	sne.s32 s1, $0x0;
	_ =	strace $0x90000047  }
0xd8: {  	s0 =	sadd.s32 @!p0 $0x100000, s0;
	[bflag:$0x2] =	sbarrier.arrive $0xFFFF  }
0xd9: {  	[sflag:s0] =	ssyncadd.tile.s32 @!p0 $0x1;
	_ =	shalt  }
.Lfunc_end2:
_tile_overlayer_lowered:
.L_overlay_start_2:
0xda: {  	(tag) =	ssettag $0x2  }
0xdb: {  	s0 =	rddreg [dreg:$0x0];
	s2 =	stileid.u32  }
0xdc: {  	s1 =	rddreg [dreg:$0x1];
	p0 =	sne.s32 s2, $0x0  }
0xdd: {  	s3 =	rddreg [dreg:$0x2];
	[bflag:$0x3] =	sbarrier.arrive $0xFFFF;
	s2 =	simm.s32 @!p0 $0x1C02  }
0xde: {  	[timem:s3], [sflag:s2] =	dma.local @!p0 [hbm:s0], s1  }
0xdf: {  	s0 =	simm.s32 @!p0 $0x2  }
0xe0: {  	_ =	swait.ge @!p0 [sflag:s0], s1  }
0xe1: {  	s1 =	ssub.s32 @!p0 $0x0, s1;
	[sflag:s0] =	ssyncset.done @!p0 $0x0  }
0xe2: {  	[sflag:s0] =	ssyncadd.s32 @!p0 s1  }
0xe3: {  	[bflag:$0x3] =	sbarrier.arrive $0xFFFF  }
0xe4: {  	_ =	shalt  }

</sc_bundles>
